<compile_context>
chip_gen: v7x
topology: tpu7x:2x2x1
jax: 0.10.2.dev20260603
libtpu: 0.0.44.dev20260713+nightly
codegen_flags: <defaults>
</compile_context>

<pallas_src>
import jax
import jax.numpy as jnp
from jax import lax
from jax.experimental import pallas as pl
from jax.experimental.pallas import tpu as pltpu
from jax.experimental.pallas import tpu_sc as plsc

VOCAB = 1_000_000
DIM = 64
BATCH = 4096
SEQ = 200

_INFO = plsc.get_sparse_core_info()
_NC = _INFO.num_cores
_NS = _INFO.num_subcores
_NW = _NC * _NS

_UT = 256
_UNITS_PER_S = BATCH // _UT
_NUNITS = SEQ * _UNITS_PER_S
_UPW = _NUNITS // _NW
_NTB = _UT // 128
_OB = 8 * _NTB * 8 * 128
_S_STRIDE = 8 * 32 * 8 * 128
_TD_STRIDE = 32 * 8 * 128


_TPW = _UPW * _UT


def _gather_kernel(scr_hbm, textF_hbm, out_hbm,
                   idxfull, rows0, rows1, rows2, obuf0, obuf1, obuf2,
                   gsem, osem):
    wid = lax.axis_index("s") * _NC + lax.axis_index("c")
    u0 = wid * _UPW
    rowss = (rows0, rows1, rows2)
    obufs = (obuf0, obuf1, obuf2)

    iota = lax.iota(jnp.int32, 16)
    pats = [
        (2 * dg + lax.shift_right_logical(iota, 3)) * (_NTB * 1024)
        + (iota & 7) * 128
        for dg in range(DIM // 16)
    ]

    def fire_gathers(i, buf):
        for j in range(_UT // 128):
            off = pl.multiple_of(i * _UT + j * 128, 128)
            pltpu.async_copy(
                scr_hbm.at[idxfull.at[pl.ds(off, 128)]],
                rowss[buf].at[pl.ds(j * 128, 128)],
                gsem.at[buf],
            )

    def wait_gathers(buf):
        pltpu.make_async_copy(
            scr_hbm.at[pl.ds(0, _UT)], rowss[buf], gsem.at[buf],
        ).wait()

    def transpose(buf):
        rows, obuf = rowss[buf], obufs[buf]

        @plsc.parallel_loop(0, _UT, unroll=8)
        def _(t):
            base = lax.div(t, 128) * 1024 + lax.rem(t, 128)
            for dg in range(DIM // 16):
                v = rows[t, pl.ds(dg * 16, 16)]
                plsc.store_scatter(obuf, [pats[dg] + base], v)

    def fire_out(u, buf):
        s = lax.div(u, _UNITS_PER_S)
        c = lax.rem(u, _UNITS_PER_S)
        off = s * _S_STRIDE + c * (_NTB * 1024)
        for td in range(8):
            pltpu.async_copy(
                obufs[buf].at[pl.ds(td * (_NTB * 1024), _NTB * 1024)],
                out_hbm.at[pl.ds(
                    pl.multiple_of(off + td * _TD_STRIDE, _NTB * 1024),
                    _NTB * 1024)],
                osem.at[buf],
            )

    def wait_out(buf):
        pltpu.make_async_copy(
            out_hbm.at[pl.ds(0, _OB)], obufs[buf], osem.at[buf],
        ).wait()

    def process(i, buf):
        u = u0 + i

        @pl.when(i + 2 < _UPW)
        def _():
            fire_gathers(i + 2, (buf + 2) % 3)

        wait_gathers(buf)

        @pl.when(i >= 3)
        def _():
            wait_out(buf)

        transpose(buf)
        fire_out(u, buf)

    pltpu.sync_copy(
        textF_hbm.at[pl.ds(pl.multiple_of(wid * _TPW, 1024), _TPW)], idxfull)
    fire_gathers(0, 0)
    fire_gathers(1, 1)

    def body(i3, carry):
        for sub in range(3):
            process(i3 * 3 + sub, sub)
        return carry

    lax.fori_loop(0, _UPW // 3, body, 0)
    process(_UPW - 1, 0)
    wait_out(0)
    wait_out(1)
    wait_out(2)


@jax.jit
def kernel(text, img, table):
    del img
    mesh = plsc.VectorSubcoreMesh(core_axis_name="c", subcore_axis_name="s")

    textF = text.T.reshape(-1)
    scr2d = table

    out1d = pl.kernel(
        _gather_kernel,
        out_type=jax.ShapeDtypeStruct((SEQ * DIM * BATCH,), jnp.float32),
        mesh=mesh,
        scratch_types=[
            pltpu.VMEM((_TPW,), jnp.int32),
            pltpu.VMEM((_UT, DIM), jnp.float32),
            pltpu.VMEM((_UT, DIM), jnp.float32),
            pltpu.VMEM((_UT, DIM), jnp.float32),
            pltpu.VMEM((_OB,), jnp.float32),
            pltpu.VMEM((_OB,), jnp.float32),
            pltpu.VMEM((_OB,), jnp.float32),
            pltpu.SemaphoreType.DMA((3,)),
            pltpu.SemaphoreType.DMA((3,)),
        ],
        compiler_params=pltpu.CompilerParams(use_tc_tiling_on_sc=False,
                                             needs_layout_passes=False),
    )(scr2d, textF)

    out5 = out1d.reshape(SEQ, 8, BATCH // 128, 8, 128)
    return out5.transpose(2, 4, 0, 1, 3).reshape(BATCH, SEQ, DIM)

# --- scband reference (transcript-rebuilt; emitter-appended) ---
"""Pipeline reference for scband-mmm-89206470738189 (READ-ONLY COPY).

The authoritative reference and input builder live on the scoring server;
editing this copy changes nothing except your own understanding.
"""

import jax, jax.numpy as jnp
import numpy as np

VOCAB = 1000000
DIM = 64
BATCH = 4096
SEQ = 200

def setup_inputs(seed: int = 0) -> dict:
    key = jax.random.key(seed)
    k1, k2, k3 = jax.random.split(key, 3)
    text = jax.random.randint(k1, (BATCH, SEQ), 0, VOCAB, dtype=jnp.int32)
    img = jax.random.normal(k2, (BATCH, 196, DIM), dtype=jnp.float32)
    # Learned parameter: embedding table (tied with lm_head, but forward only does the lookup)
    table = jax.random.normal(k3, (VOCAB, DIM), dtype=jnp.float32) * 0.02
    return {"text": text, "img": img, "table": table}

def reference(text, img, table):
    # Faithful translation of MMM.forward: the torch forward only executes
    # self.embedding(text); img is accepted but unused. We return the
    # embedding lookup result (the only computation performed).
    out = jnp.take(table, text, axis=0)  # [BATCH, SEQ, DIM]
    return out

if __name__ == "__main__":
    import jax
    _d = setup_inputs()
    print(jax.jit(kernel)(*tuple(_d.values())))

</pallas_src>

<mosaic_0001>
#map = affine_map<(d0, d1) -> (0, 0)>
#map1 = affine_map<(d0, d1) -> (0)>
module attributes {stable_mosaic.version = 14 : i64} {
  func.func @_gather_kernel(%arg0: i32, %arg1: i32, %arg2: memref<1000000x64xf32, #tpu.memory_space<hbm>>, %arg3: memref<819200xi32, #tpu.memory_space<hbm>>, %arg4: memref<52428800xf32, #tpu.memory_space<hbm>>, %arg5: memref<25600xi32, #tpu.memory_space<vmem>>, %arg6: memref<256x64xf32, #tpu.memory_space<vmem>>, %arg7: memref<256x64xf32, #tpu.memory_space<vmem>>, %arg8: memref<256x64xf32, #tpu.memory_space<vmem>>, %arg9: memref<16384xf32, #tpu.memory_space<vmem>>, %arg10: memref<16384xf32, #tpu.memory_space<vmem>>, %arg11: memref<16384xf32, #tpu.memory_space<vmem>>, %arg12: memref<3x!tpu.dma_semaphore, #tpu.memory_space<semaphore_mem>>, %arg13: memref<3x!tpu.dma_semaphore, #tpu.memory_space<semaphore_mem>>) attributes {dimension_semantics = [#tpu.dimension_semantics<core_parallel>, #tpu.dimension_semantics<subcore_parallel>], iteration_bounds = array<i64: 2, 16>, scalar_prefetch = 0 : i64, scratch_operands = 9 : i64, tpu.core_type = #tpu.core_type<sc_vector_subcore>, window_params = [{transform_indices = #map}, {transform_indices = #map1}, {transform_indices = #map1}]} {
    %mul3A = arith.constant 2 : i32
    %mul3A_0 = arith.muli %arg1, %mul3A : i32
    %add3A = arith.addi %mul3A_0, %arg0 : i32
    %mul3A_1 = arith.constant 100 : i32
    %mul3A_2 = arith.muli %add3A, %mul3A_1 : i32
    %iota3A = tpu.iota {dimensions = array<i32: 0>} : vector<16xi32>
    %shift_right_logical3A = arith.constant 3 : i32
    %shift_right_logical3A_3 = vector.broadcast %shift_right_logical3A : i32 to vector<16xi32>
    %shift_right_logical3A_4 = arith.shrui %iota3A, %shift_right_logical3A_3 : vector<16xi32>
    %add3A_5 = arith.constant 0 : i32
    %add3A_6 = vector.broadcast %add3A_5 : i32 to vector<16xi32>
    %add3A_7 = arith.addi %add3A_6, %shift_right_logical3A_4 : vector<16xi32>
    %mul3A_8 = arith.constant 2048 : i32
    %mul3A_9 = vector.broadcast %mul3A_8 : i32 to vector<16xi32>
    %mul3A_10 = arith.muli %add3A_7, %mul3A_9 : vector<16xi32>
    %and3A = arith.constant 7 : i32
    %and3A_11 = vector.broadcast %and3A : i32 to vector<16xi32>
    %and3A_12 = arith.andi %iota3A, %and3A_11 : vector<16xi32>
    %mul3A_13 = arith.constant 128 : i32
    %mul3A_14 = vector.broadcast %mul3A_13 : i32 to vector<16xi32>
    %mul3A_15 = arith.muli %and3A_12, %mul3A_14 : vector<16xi32>
    %add3A_16 = arith.addi %mul3A_10, %mul3A_15 : vector<16xi32>
    %shift_right_logical3A_17 = arith.constant 3 : i32
    %shift_right_logical3A_18 = vector.broadcast %shift_right_logical3A_17 : i32 to vector<16xi32>
    %shift_right_logical3A_19 = arith.shrui %iota3A, %shift_right_logical3A_18 : vector<16xi32>
    %add3A_20 = arith.constant 2 : i32
    %add3A_21 = vector.broadcast %add3A_20 : i32 to vector<16xi32>
    %add3A_22 = arith.addi %add3A_21, %shift_right_logical3A_19 : vector<16xi32>
    %mul3A_23 = arith.constant 2048 : i32
    %mul3A_24 = vector.broadcast %mul3A_23 : i32 to vector<16xi32>
    %mul3A_25 = arith.muli %add3A_22, %mul3A_24 : vector<16xi32>
    %and3A_26 = arith.constant 7 : i32
    %and3A_27 = vector.broadcast %and3A_26 : i32 to vector<16xi32>
    %and3A_28 = arith.andi %iota3A, %and3A_27 : vector<16xi32>
    %mul3A_29 = arith.constant 128 : i32
    %mul3A_30 = vector.broadcast %mul3A_29 : i32 to vector<16xi32>
    %mul3A_31 = arith.muli %and3A_28, %mul3A_30 : vector<16xi32>
    %add3A_32 = arith.addi %mul3A_25, %mul3A_31 : vector<16xi32>
    %shift_right_logical3A_33 = arith.constant 3 : i32
    %shift_right_logical3A_34 = vector.broadcast %shift_right_logical3A_33 : i32 to vector<16xi32>
    %shift_right_logical3A_35 = arith.shrui %iota3A, %shift_right_logical3A_34 : vector<16xi32>
    %add3A_36 = arith.constant 4 : i32
    %add3A_37 = vector.broadcast %add3A_36 : i32 to vector<16xi32>
    %add3A_38 = arith.addi %add3A_37, %shift_right_logical3A_35 : vector<16xi32>
    %mul3A_39 = arith.constant 2048 : i32
    %mul3A_40 = vector.broadcast %mul3A_39 : i32 to vector<16xi32>
    %mul3A_41 = arith.muli %add3A_38, %mul3A_40 : vector<16xi32>
    %and3A_42 = arith.constant 7 : i32
    %and3A_43 = vector.broadcast %and3A_42 : i32 to vector<16xi32>
    %and3A_44 = arith.andi %iota3A, %and3A_43 : vector<16xi32>
    %mul3A_45 = arith.constant 128 : i32
    %mul3A_46 = vector.broadcast %mul3A_45 : i32 to vector<16xi32>
    %mul3A_47 = arith.muli %and3A_44, %mul3A_46 : vector<16xi32>
    %add3A_48 = arith.addi %mul3A_41, %mul3A_47 : vector<16xi32>
    %shift_right_logical3A_49 = arith.constant 3 : i32
    %shift_right_logical3A_50 = vector.broadcast %shift_right_logical3A_49 : i32 to vector<16xi32>
    %shift_right_logical3A_51 = arith.shrui %iota3A, %shift_right_logical3A_50 : vector<16xi32>
    %add3A_52 = arith.constant 6 : i32
    %add3A_53 = vector.broadcast %add3A_52 : i32 to vector<16xi32>
    %add3A_54 = arith.addi %add3A_53, %shift_right_logical3A_51 : vector<16xi32>
    %mul3A_55 = arith.constant 2048 : i32
    %mul3A_56 = vector.broadcast %mul3A_55 : i32 to vector<16xi32>
    %mul3A_57 = arith.muli %add3A_54, %mul3A_56 : vector<16xi32>
    %and3A_58 = arith.constant 7 : i32
    %and3A_59 = vector.broadcast %and3A_58 : i32 to vector<16xi32>
    %and3A_60 = arith.andi %iota3A, %and3A_59 : vector<16xi32>
    %mul3A_61 = arith.constant 128 : i32
    %mul3A_62 = vector.broadcast %mul3A_61 : i32 to vector<16xi32>
    %mul3A_63 = arith.muli %and3A_60, %mul3A_62 : vector<16xi32>
    %add3A_64 = arith.addi %mul3A_57, %mul3A_63 : vector<16xi32>
    %mul3A_65 = arith.constant 25600 : i32
    %mul3A_66 = arith.muli %add3A, %mul3A_65 : i32
    %multiple_of3A = tpu.assume_multiple %mul3A_66, 1024 : i32
    "tpu.region"() ({
      %run_scoped3A = tpu.sem_alloc : memref<!tpu.dma_semaphore, #tpu.memory_space<semaphore_mem>>
      %dma_start3A_262 = tpu.memref_slice %arg3[%multiple_of3A] : memref<819200xi32, #tpu.memory_space<hbm>> -> memref<25600xi32, #tpu.memory_space<hbm>>
      %dma_start3A_263 = tpu.memref_slice %arg3[%multiple_of3A] : memref<819200xi32, #tpu.memory_space<hbm>> -> memref<25600xi32, #tpu.memory_space<hbm>>
      tpu.enqueue_dma source(%dma_start3A_263 : memref<25600xi32, #tpu.memory_space<hbm>>) target(%arg5 : memref<25600xi32, #tpu.memory_space<vmem>>) target_semaphore(%run_scoped3A : memref<!tpu.dma_semaphore, #tpu.memory_space<semaphore_mem>>)
      %dma_wait3A_264 = tpu.memref_slice %arg3[%multiple_of3A] : memref<819200xi32, #tpu.memory_space<hbm>> -> memref<25600xi32, #tpu.memory_space<hbm>>
      %dma_wait3A_265 = tpu.memref_slice %arg3[%multiple_of3A] : memref<819200xi32, #tpu.memory_space<hbm>> -> memref<25600xi32, #tpu.memory_space<hbm>>
      tpu.wait_dma2 semaphore(%run_scoped3A : memref<!tpu.dma_semaphore, #tpu.memory_space<semaphore_mem>>) src(%dma_wait3A_265 : memref<25600xi32, #tpu.memory_space<hbm>>) dst(%arg5 : memref<25600xi32, #tpu.memory_space<vmem>>)
      tpu.yield
    }) : () -> ()
    %multiple_of3A_67 = arith.constant 0 : i32
    %multiple_of3A_68 = tpu.assume_multiple %multiple_of3A_67, 128 : i32
    %dma_start3A = arith.constant 0 : i32
    %dma_start3A_69 = arith.constant 0 : i32
    %dma_start3A_70 = arith.constant 0 : i32
    %dma_start3A_71 = tpu.memref_slice %arg6[%dma_start3A_69, %dma_start3A_70] : memref<256x64xf32, #tpu.memory_space<vmem>> -> memref<128x64xf32, #tpu.memory_space<vmem>>
    %dma_start3A_72 = tpu.memref_slice %arg5[%multiple_of3A_68] : memref<25600xi32, #tpu.memory_space<vmem>> -> memref<128xi32, #tpu.memory_space<vmem>>
    %dma_start3A_73 = arith.constant 0 : i32
    %dma_start3A_74 = arith.constant 0 : i32
    %dma_start3A_75 = tpu.memref_slice %arg2[%dma_start3A_73, %dma_start3A_74] : memref<1000000x64xf32, #tpu.memory_space<hbm>> -> memref<1000000x64xf32, #tpu.memory_space<hbm>>
    %dma_start3A_76 = tpu.memref_slice %arg12[%dma_start3A] : memref<3x!tpu.dma_semaphore, #tpu.memory_space<semaphore_mem>> -> memref<1x!tpu.dma_semaphore, #tpu.memory_space<semaphore_mem>>
    %dma_start3A_77 = tpu.memref_squeeze %dma_start3A_76 : memref<1x!tpu.dma_semaphore, #tpu.memory_space<semaphore_mem>> -> memref<!tpu.dma_semaphore, #tpu.memory_space<semaphore_mem>>
    tpu.enqueue_indirect_dma source(%dma_start3A_75 : memref<1000000x64xf32, #tpu.memory_space<hbm>>) target(%dma_start3A_71 : memref<128x64xf32, #tpu.memory_space<vmem>>) offsets(%dma_start3A_72 : memref<128xi32, #tpu.memory_space<vmem>>) semaphore(%dma_start3A_77 : memref<!tpu.dma_semaphore, #tpu.memory_space<semaphore_mem>>)
    %multiple_of3A_78 = arith.constant 128 : i32
    %multiple_of3A_79 = tpu.assume_multiple %multiple_of3A_78, 128 : i32
    %dma_start3A_80 = arith.constant 0 : i32
    %dma_start3A_81 = arith.constant 128 : i32
    %dma_start3A_82 = arith.constant 0 : i32
    %dma_start3A_83 = tpu.memref_slice %arg6[%dma_start3A_81, %dma_start3A_82] : memref<256x64xf32, #tpu.memory_space<vmem>> -> memref<128x64xf32, #tpu.memory_space<vmem>>
    %dma_start3A_84 = tpu.memref_slice %arg5[%multiple_of3A_79] : memref<25600xi32, #tpu.memory_space<vmem>> -> memref<128xi32, #tpu.memory_space<vmem>>
    %dma_start3A_85 = arith.constant 0 : i32
    %dma_start3A_86 = arith.constant 0 : i32
    %dma_start3A_87 = tpu.memref_slice %arg2[%dma_start3A_85, %dma_start3A_86] : memref<1000000x64xf32, #tpu.memory_space<hbm>> -> memref<1000000x64xf32, #tpu.memory_space<hbm>>
    %dma_start3A_88 = tpu.memref_slice %arg12[%dma_start3A_80] : memref<3x!tpu.dma_semaphore, #tpu.memory_space<semaphore_mem>> -> memref<1x!tpu.dma_semaphore, #tpu.memory_space<semaphore_mem>>
    %dma_start3A_89 = tpu.memref_squeeze %dma_start3A_88 : memref<1x!tpu.dma_semaphore, #tpu.memory_space<semaphore_mem>> -> memref<!tpu.dma_semaphore, #tpu.memory_space<semaphore_mem>>
    tpu.enqueue_indirect_dma source(%dma_start3A_87 : memref<1000000x64xf32, #tpu.memory_space<hbm>>) target(%dma_start3A_83 : memref<128x64xf32, #tpu.memory_space<vmem>>) offsets(%dma_start3A_84 : memref<128xi32, #tpu.memory_space<vmem>>) semaphore(%dma_start3A_89 : memref<!tpu.dma_semaphore, #tpu.memory_space<semaphore_mem>>)
    %multiple_of3A_90 = arith.constant 256 : i32
    %multiple_of3A_91 = tpu.assume_multiple %multiple_of3A_90, 128 : i32
    %dma_start3A_92 = arith.constant 1 : i32
    %dma_start3A_93 = arith.constant 0 : i32
    %dma_start3A_94 = arith.constant 0 : i32
    %dma_start3A_95 = tpu.memref_slice %arg7[%dma_start3A_93, %dma_start3A_94] : memref<256x64xf32, #tpu.memory_space<vmem>> -> memref<128x64xf32, #tpu.memory_space<vmem>>
    %dma_start3A_96 = tpu.memref_slice %arg5[%multiple_of3A_91] : memref<25600xi32, #tpu.memory_space<vmem>> -> memref<128xi32, #tpu.memory_space<vmem>>
    %dma_start3A_97 = arith.constant 0 : i32
    %dma_start3A_98 = arith.constant 0 : i32
    %dma_start3A_99 = tpu.memref_slice %arg2[%dma_start3A_97, %dma_start3A_98] : memref<1000000x64xf32, #tpu.memory_space<hbm>> -> memref<1000000x64xf32, #tpu.memory_space<hbm>>
    %dma_start3A_100 = tpu.memref_slice %arg12[%dma_start3A_92] : memref<3x!tpu.dma_semaphore, #tpu.memory_space<semaphore_mem>> -> memref<1x!tpu.dma_semaphore, #tpu.memory_space<semaphore_mem>>
    %dma_start3A_101 = tpu.memref_squeeze %dma_start3A_100 : memref<1x!tpu.dma_semaphore, #tpu.memory_space<semaphore_mem>> -> memref<!tpu.dma_semaphore, #tpu.memory_space<semaphore_mem>>
    tpu.enqueue_indirect_dma source(%dma_start3A_99 : memref<1000000x64xf32, #tpu.memory_space<hbm>>) target(%dma_start3A_95 : memref<128x64xf32, #tpu.memory_space<vmem>>) offsets(%dma_start3A_96 : memref<128xi32, #tpu.memory_space<vmem>>) semaphore(%dma_start3A_101 : memref<!tpu.dma_semaphore, #tpu.memory_space<semaphore_mem>>)
    %multiple_of3A_102 = arith.constant 384 : i32
    %multiple_of3A_103 = tpu.assume_multiple %multiple_of3A_102, 128 : i32
    %dma_start3A_104 = arith.constant 1 : i32
    %dma_start3A_105 = arith.constant 128 : i32
    %dma_start3A_106 = arith.constant 0 : i32
    %dma_start3A_107 = tpu.memref_slice %arg7[%dma_start3A_105, %dma_start3A_106] : memref<256x64xf32, #tpu.memory_space<vmem>> -> memref<128x64xf32, #tpu.memory_space<vmem>>
    %dma_start3A_108 = tpu.memref_slice %arg5[%multiple_of3A_103] : memref<25600xi32, #tpu.memory_space<vmem>> -> memref<128xi32, #tpu.memory_space<vmem>>
    %dma_start3A_109 = arith.constant 0 : i32
    %dma_start3A_110 = arith.constant 0 : i32
    %dma_start3A_111 = tpu.memref_slice %arg2[%dma_start3A_109, %dma_start3A_110] : memref<1000000x64xf32, #tpu.memory_space<hbm>> -> memref<1000000x64xf32, #tpu.memory_space<hbm>>
    %dma_start3A_112 = tpu.memref_slice %arg12[%dma_start3A_104] : memref<3x!tpu.dma_semaphore, #tpu.memory_space<semaphore_mem>> -> memref<1x!tpu.dma_semaphore, #tpu.memory_space<semaphore_mem>>
    %dma_start3A_113 = tpu.memref_squeeze %dma_start3A_112 : memref<1x!tpu.dma_semaphore, #tpu.memory_space<semaphore_mem>> -> memref<!tpu.dma_semaphore, #tpu.memory_space<semaphore_mem>>
    tpu.enqueue_indirect_dma source(%dma_start3A_111 : memref<1000000x64xf32, #tpu.memory_space<hbm>>) target(%dma_start3A_107 : memref<128x64xf32, #tpu.memory_space<vmem>>) offsets(%dma_start3A_108 : memref<128xi32, #tpu.memory_space<vmem>>) semaphore(%dma_start3A_113 : memref<!tpu.dma_semaphore, #tpu.memory_space<semaphore_mem>>)
    %scan3A = arith.constant 0 : i32
    %scan3A_114 = arith.constant 0 : i32
    %scan3A_115 = arith.constant 33 : i32
    %scan3A_116 = arith.addi %scan3A_114, %scan3A_115 : i32
    %scan3A_117 = arith.constant 1 : i32
    scf.for %scan3A_262 = %scan3A_114 to %scan3A_116 step %scan3A_117  : i32 {
      %mul3A_263 = arith.constant 3 : i32
      %mul3A_264 = arith.muli %scan3A_262, %mul3A_263 : i32
      %add3A_265 = arith.constant 0 : i32
      %add3A_266 = arith.addi %mul3A_264, %add3A_265 : i32
      %add3A_267 = arith.addi %mul3A_2, %add3A_266 : i32
      %add3A_268 = arith.constant 2 : i32
      %add3A_269 = arith.addi %add3A_266, %add3A_268 : i32
      %lt3A = arith.constant 100 : i32
      %lt3A_270 = arith.cmpi slt, %add3A_269, %lt3A : i32
      %convert_element_type3A = arith.extui %lt3A_270 : i1 to i32
      %cond3A = arith.constant 0 : i32
      %cond3A_271 = arith.cmpi ne, %convert_element_type3A, %cond3A : i32
      scf.if %cond3A_271 {
        %add3A_661 = arith.constant 2 : i32
        %add3A_662 = arith.addi %add3A_266, %add3A_661 : i32
        %mul3A_663 = arith.constant 256 : i32
        %mul3A_664 = arith.muli %add3A_662, %mul3A_663 : i32
        %add3A_665 = arith.constant 0 : i32
        %add3A_666 = arith.addi %mul3A_664, %add3A_665 : i32
        %multiple_of3A_667 = tpu.assume_multiple %add3A_666, 128 : i32
        %dma_start3A_668 = arith.constant 2 : i32
        %dma_start3A_669 = arith.constant 0 : i32
        %dma_start3A_670 = arith.constant 0 : i32
        %dma_start3A_671 = tpu.memref_slice %arg8[%dma_start3A_669, %dma_start3A_670] : memref<256x64xf32, #tpu.memory_space<vmem>> -> memref<128x64xf32, #tpu.memory_space<vmem>>
        %dma_start3A_672 = tpu.memref_slice %arg5[%multiple_of3A_667] : memref<25600xi32, #tpu.memory_space<vmem>> -> memref<128xi32, #tpu.memory_space<vmem>>
        %dma_start3A_673 = arith.constant 0 : i32
        %dma_start3A_674 = arith.constant 0 : i32
        %dma_start3A_675 = tpu.memref_slice %arg2[%dma_start3A_673, %dma_start3A_674] : memref<1000000x64xf32, #tpu.memory_space<hbm>> -> memref<1000000x64xf32, #tpu.memory_space<hbm>>
        %dma_start3A_676 = tpu.memref_slice %arg12[%dma_start3A_668] : memref<3x!tpu.dma_semaphore, #tpu.memory_space<semaphore_mem>> -> memref<1x!tpu.dma_semaphore, #tpu.memory_space<semaphore_mem>>
        %dma_start3A_677 = tpu.memref_squeeze %dma_start3A_676 : memref<1x!tpu.dma_semaphore, #tpu.memory_space<semaphore_mem>> -> memref<!tpu.dma_semaphore, #tpu.memory_space<semaphore_mem>>
        tpu.enqueue_indirect_dma source(%dma_start3A_675 : memref<1000000x64xf32, #tpu.memory_space<hbm>>) target(%dma_start3A_671 : memref<128x64xf32, #tpu.memory_space<vmem>>) offsets(%dma_start3A_672 : memref<128xi32, #tpu.memory_space<vmem>>) semaphore(%dma_start3A_677 : memref<!tpu.dma_semaphore, #tpu.memory_space<semaphore_mem>>)
        %mul3A_678 = arith.constant 256 : i32
        %mul3A_679 = arith.muli %add3A_662, %mul3A_678 : i32
        %add3A_680 = arith.constant 128 : i32
        %add3A_681 = arith.addi %mul3A_679, %add3A_680 : i32
        %multiple_of3A_682 = tpu.assume_multiple %add3A_681, 128 : i32
        %dma_start3A_683 = arith.constant 2 : i32
        %dma_start3A_684 = arith.constant 128 : i32
        %dma_start3A_685 = arith.constant 0 : i32
        %dma_start3A_686 = tpu.memref_slice %arg8[%dma_start3A_684, %dma_start3A_685] : memref<256x64xf32, #tpu.memory_space<vmem>> -> memref<128x64xf32, #tpu.memory_space<vmem>>
        %dma_start3A_687 = tpu.memref_slice %arg5[%multiple_of3A_682] : memref<25600xi32, #tpu.memory_space<vmem>> -> memref<128xi32, #tpu.memory_space<vmem>>
        %dma_start3A_688 = arith.constant 0 : i32
        %dma_start3A_689 = arith.constant 0 : i32
        %dma_start3A_690 = tpu.memref_slice %arg2[%dma_start3A_688, %dma_start3A_689] : memref<1000000x64xf32, #tpu.memory_space<hbm>> -> memref<1000000x64xf32, #tpu.memory_space<hbm>>
        %dma_start3A_691 = tpu.memref_slice %arg12[%dma_start3A_683] : memref<3x!tpu.dma_semaphore, #tpu.memory_space<semaphore_mem>> -> memref<1x!tpu.dma_semaphore, #tpu.memory_space<semaphore_mem>>
        %dma_start3A_692 = tpu.memref_squeeze %dma_start3A_691 : memref<1x!tpu.dma_semaphore, #tpu.memory_space<semaphore_mem>> -> memref<!tpu.dma_semaphore, #tpu.memory_space<semaphore_mem>>
        tpu.enqueue_indirect_dma source(%dma_start3A_690 : memref<1000000x64xf32, #tpu.memory_space<hbm>>) target(%dma_start3A_686 : memref<128x64xf32, #tpu.memory_space<vmem>>) offsets(%dma_start3A_687 : memref<128xi32, #tpu.memory_space<vmem>>) semaphore(%dma_start3A_692 : memref<!tpu.dma_semaphore, #tpu.memory_space<semaphore_mem>>)
      } else {
      }
      %dma_wait3A_272 = arith.constant 0 : i32
      %dma_wait3A_273 = arith.constant 0 : i32
      %dma_wait3A_274 = arith.constant 0 : i32
      %dma_wait3A_275 = tpu.memref_slice %arg2[%dma_wait3A_273, %dma_wait3A_274] : memref<1000000x64xf32, #tpu.memory_space<hbm>> -> memref<256x64xf32, #tpu.memory_space<hbm>>
      %dma_wait3A_276 = tpu.memref_slice %arg12[%dma_wait3A_272] : memref<3x!tpu.dma_semaphore, #tpu.memory_space<semaphore_mem>> -> memref<1x!tpu.dma_semaphore, #tpu.memory_space<semaphore_mem>>
      %dma_wait3A_277 = tpu.memref_squeeze %dma_wait3A_276 : memref<1x!tpu.dma_semaphore, #tpu.memory_space<semaphore_mem>> -> memref<!tpu.dma_semaphore, #tpu.memory_space<semaphore_mem>>
      %dma_wait3A_278 = arith.constant 0 : i32
      %dma_wait3A_279 = arith.constant 0 : i32
      %dma_wait3A_280 = tpu.memref_slice %arg2[%dma_wait3A_278, %dma_wait3A_279] : memref<1000000x64xf32, #tpu.memory_space<hbm>> -> memref<256x64xf32, #tpu.memory_space<hbm>>
      tpu.wait_dma2 semaphore(%dma_wait3A_277 : memref<!tpu.dma_semaphore, #tpu.memory_space<semaphore_mem>>) src(%dma_wait3A_280 : memref<256x64xf32, #tpu.memory_space<hbm>>) dst(%arg6 : memref<256x64xf32, #tpu.memory_space<vmem>>)
      %ge3A = arith.constant 3 : i32
      %ge3A_281 = arith.cmpi sge, %add3A_266, %ge3A : i32
      %convert_element_type3A_282 = arith.extui %ge3A_281 : i1 to i32
      %cond3A_283 = arith.constant 0 : i32
      %cond3A_284 = arith.cmpi ne, %convert_element_type3A_282, %cond3A_283 : i32
      scf.if %cond3A_284 {
        %dma_wait3A_661 = arith.constant 0 : i32
        %dma_wait3A_662 = arith.constant 0 : i32
        %dma_wait3A_663 = tpu.memref_slice %arg4[%dma_wait3A_662] : memref<52428800xf32, #tpu.memory_space<hbm>> -> memref<16384xf32, #tpu.memory_space<hbm>>
        %dma_wait3A_664 = tpu.memref_slice %arg13[%dma_wait3A_661] : memref<3x!tpu.dma_semaphore, #tpu.memory_space<semaphore_mem>> -> memref<1x!tpu.dma_semaphore, #tpu.memory_space<semaphore_mem>>
        %dma_wait3A_665 = tpu.memref_squeeze %dma_wait3A_664 : memref<1x!tpu.dma_semaphore, #tpu.memory_space<semaphore_mem>> -> memref<!tpu.dma_semaphore, #tpu.memory_space<semaphore_mem>>
        %dma_wait3A_666 = arith.constant 0 : i32
        %dma_wait3A_667 = tpu.memref_slice %arg4[%dma_wait3A_666] : memref<52428800xf32, #tpu.memory_space<hbm>> -> memref<16384xf32, #tpu.memory_space<hbm>>
        tpu.wait_dma2 semaphore(%dma_wait3A_665 : memref<!tpu.dma_semaphore, #tpu.memory_space<semaphore_mem>>) src(%dma_wait3A_667 : memref<16384xf32, #tpu.memory_space<hbm>>) dst(%arg9 : memref<16384xf32, #tpu.memory_space<vmem>>)
      } else {
      }
      %parallel_loop3A_285 = arith.constant 0 : i32
      %parallel_loop3A_286 = arith.constant 256 : i32
      %parallel_loop3A_287 = arith.constant 1 : i32
      scf.for %parallel_loop3A_661 = %parallel_loop3A_285 to %parallel_loop3A_286 step %parallel_loop3A_287  : i32 {
        %parallel_loop3A_662 = arith.constant 128 : i32
        %parallel_loop3A_663 = arith.divsi %parallel_loop3A_661, %parallel_loop3A_662 : i32
        %parallel_loop3A_664 = arith.constant 1024 : i32
        %parallel_loop3A_665 = arith.muli %parallel_loop3A_663, %parallel_loop3A_664 : i32
        %parallel_loop3A_666 = arith.constant 128 : i32
        %parallel_loop3A_667 = arith.remsi %parallel_loop3A_661, %parallel_loop3A_666 : i32
        %parallel_loop3A_668 = arith.addi %parallel_loop3A_665, %parallel_loop3A_667 : i32
        %parallel_loop3A_669 = arith.index_cast %parallel_loop3A_661 : i32 to index
        %parallel_loop3A_670 = arith.constant 0 : index
        %parallel_loop3A_671 = tpu.vector_load %arg6[%parallel_loop3A_669, %parallel_loop3A_670] {strides = array<i32>} : memref<256x64xf32, #tpu.memory_space<vmem>>, vector<16xf32>,
        %parallel_loop3A_672 = vector.broadcast %parallel_loop3A_668 : i32 to vector<16xi32>
        %parallel_loop3A_673 = arith.addi %add3A_16, %parallel_loop3A_672 : vector<16xi32>
        tpu.vector_store_idx %arg9[%parallel_loop3A_673], %parallel_loop3A_671 : memref<16384xf32, #tpu.memory_space<vmem>>[vector<16xi32>], vector<16xf32>,
        %parallel_loop3A_674 = arith.index_cast %parallel_loop3A_661 : i32 to index
        %parallel_loop3A_675 = arith.constant 16 : index
        %parallel_loop3A_676 = tpu.vector_load %arg6[%parallel_loop3A_674, %parallel_loop3A_675] {strides = array<i32>} : memref<256x64xf32, #tpu.memory_space<vmem>>, vector<16xf32>,
        %parallel_loop3A_677 = vector.broadcast %parallel_loop3A_668 : i32 to vector<16xi32>
        %parallel_loop3A_678 = arith.addi %add3A_32, %parallel_loop3A_677 : vector<16xi32>
        tpu.vector_store_idx %arg9[%parallel_loop3A_678], %parallel_loop3A_676 : memref<16384xf32, #tpu.memory_space<vmem>>[vector<16xi32>], vector<16xf32>,
        %parallel_loop3A_679 = arith.index_cast %parallel_loop3A_661 : i32 to index
        %parallel_loop3A_680 = arith.constant 32 : index
        %parallel_loop3A_681 = tpu.vector_load %arg6[%parallel_loop3A_679, %parallel_loop3A_680] {strides = array<i32>} : memref<256x64xf32, #tpu.memory_space<vmem>>, vector<16xf32>,
        %parallel_loop3A_682 = vector.broadcast %parallel_loop3A_668 : i32 to vector<16xi32>
        %parallel_loop3A_683 = arith.addi %add3A_48, %parallel_loop3A_682 : vector<16xi32>
        tpu.vector_store_idx %arg9[%parallel_loop3A_683], %parallel_loop3A_681 : memref<16384xf32, #tpu.memory_space<vmem>>[vector<16xi32>], vector<16xf32>,
        %parallel_loop3A_684 = arith.index_cast %parallel_loop3A_661 : i32 to index
        %parallel_loop3A_685 = arith.constant 48 : index
        %parallel_loop3A_686 = tpu.vector_load %arg6[%parallel_loop3A_684, %parallel_loop3A_685] {strides = array<i32>} : memref<256x64xf32, #tpu.memory_space<vmem>>, vector<16xf32>,
        %parallel_loop3A_687 = vector.broadcast %parallel_loop3A_668 : i32 to vector<16xi32>
        %parallel_loop3A_688 = arith.addi %add3A_64, %parallel_loop3A_687 : vector<16xi32>
        tpu.vector_store_idx %arg9[%parallel_loop3A_688], %parallel_loop3A_686 : memref<16384xf32, #tpu.memory_space<vmem>>[vector<16xi32>], vector<16xf32>,
      } {sc.loop_unroll_factor = 8 : i64, sc.parallel_access}
      %div3A_288 = arith.constant 16 : i32
      %div3A_289 = arith.divsi %add3A_267, %div3A_288 : i32
      %rem3A_290 = arith.constant 16 : i32
      %rem3A_291 = arith.remsi %add3A_267, %rem3A_290 : i32
      %mul3A_292 = arith.constant 262144 : i32
      %mul3A_293 = arith.muli %div3A_289, %mul3A_292 : i32
      %mul3A_294 = arith.constant 2048 : i32
      %mul3A_295 = arith.muli %rem3A_291, %mul3A_294 : i32
      %add3A_296 = arith.addi %mul3A_293, %mul3A_295 : i32
      %add3A_297 = arith.constant 0 : i32
      %add3A_298 = arith.addi %add3A_296, %add3A_297 : i32
      %multiple_of3A_299 = tpu.assume_multiple %add3A_298, 2048 : i32
      %dma_start3A_300 = arith.constant 0 : i32
      %dma_start3A_301 = arith.constant 0 : i32
      %dma_start3A_302 = tpu.memref_slice %arg9[%dma_start3A_301] : memref<16384xf32, #tpu.memory_space<vmem>> -> memref<2048xf32, #tpu.memory_space<vmem>>
      %dma_start3A_303 = tpu.memref_slice %arg4[%multiple_of3A_299] : memref<52428800xf32, #tpu.memory_space<hbm>> -> memref<2048xf32, #tpu.memory_space<hbm>>
      %dma_start3A_304 = tpu.memref_slice %arg13[%dma_start3A_300] : memref<3x!tpu.dma_semaphore, #tpu.memory_space<semaphore_mem>> -> memref<1x!tpu.dma_semaphore, #tpu.memory_space<semaphore_mem>>
      %dma_start3A_305 = tpu.memref_squeeze %dma_start3A_304 : memref<1x!tpu.dma_semaphore, #tpu.memory_space<semaphore_mem>> -> memref<!tpu.dma_semaphore, #tpu.memory_space<semaphore_mem>>
      %dma_start3A_306 = tpu.memref_slice %arg4[%multiple_of3A_299] : memref<52428800xf32, #tpu.memory_space<hbm>> -> memref<2048xf32, #tpu.memory_space<hbm>>
      %dma_start3A_307 = arith.constant 0 : i32
      %dma_start3A_308 = tpu.memref_slice %arg9[%dma_start3A_307] : memref<16384xf32, #tpu.memory_space<vmem>> -> memref<2048xf32, #tpu.memory_space<vmem>>
      tpu.enqueue_dma source(%dma_start3A_308 : memref<2048xf32, #tpu.memory_space<vmem>>) target(%dma_start3A_306 : memref<2048xf32, #tpu.memory_space<hbm>>) target_semaphore(%dma_start3A_305 : memref<!tpu.dma_semaphore, #tpu.memory_space<semaphore_mem>>)
      %add3A_309 = arith.constant 32768 : i32
      %add3A_310 = arith.addi %add3A_296, %add3A_309 : i32
      %multiple_of3A_311 = tpu.assume_multiple %add3A_310, 2048 : i32
      %dma_start3A_312 = arith.constant 0 : i32
      %dma_start3A_313 = arith.constant 2048 : i32
      %dma_start3A_314 = tpu.memref_slice %arg9[%dma_start3A_313] : memref<16384xf32, #tpu.memory_space<vmem>> -> memref<2048xf32, #tpu.memory_space<vmem>>
      %dma_start3A_315 = tpu.memref_slice %arg4[%multiple_of3A_311] : memref<52428800xf32, #tpu.memory_space<hbm>> -> memref<2048xf32, #tpu.memory_space<hbm>>
      %dma_start3A_316 = tpu.memref_slice %arg13[%dma_start3A_312] : memref<3x!tpu.dma_semaphore, #tpu.memory_space<semaphore_mem>> -> memref<1x!tpu.dma_semaphore, #tpu.memory_space<semaphore_mem>>
      %dma_start3A_317 = tpu.memref_squeeze %dma_start3A_316 : memref<1x!tpu.dma_semaphore, #tpu.memory_space<semaphore_mem>> -> memref<!tpu.dma_semaphore, #tpu.memory_space<semaphore_mem>>
      %dma_start3A_318 = tpu.memref_slice %arg4[%multiple_of3A_311] : memref<52428800xf32, #tpu.memory_space<hbm>> -> memref<2048xf32, #tpu.memory_space<hbm>>
      %dma_start3A_319 = arith.constant 2048 : i32
      %dma_start3A_320 = tpu.memref_slice %arg9[%dma_start3A_319] : memref<16384xf32, #tpu.memory_space<vmem>> -> memref<2048xf32, #tpu.memory_space<vmem>>
      tpu.enqueue_dma source(%dma_start3A_320 : memref<2048xf32, #tpu.memory_space<vmem>>) target(%dma_start3A_318 : memref<2048xf32, #tpu.memory_space<hbm>>) target_semaphore(%dma_start3A_317 : memref<!tpu.dma_semaphore, #tpu.memory_space<semaphore_mem>>)
      %add3A_321 = arith.constant 65536 : i32
      %add3A_322 = arith.addi %add3A_296, %add3A_321 : i32
      %multiple_of3A_323 = tpu.assume_multiple %add3A_322, 2048 : i32
      %dma_start3A_324 = arith.constant 0 : i32
      %dma_start3A_325 = arith.constant 4096 : i32
      %dma_start3A_326 = tpu.memref_slice %arg9[%dma_start3A_325] : memref<16384xf32, #tpu.memory_space<vmem>> -> memref<2048xf32, #tpu.memory_space<vmem>>
      %dma_start3A_327 = tpu.memref_slice %arg4[%multiple_of3A_323] : memref<52428800xf32, #tpu.memory_space<hbm>> -> memref<2048xf32, #tpu.memory_space<hbm>>
      %dma_start3A_328 = tpu.memref_slice %arg13[%dma_start3A_324] : memref<3x!tpu.dma_semaphore, #tpu.memory_space<semaphore_mem>> -> memref<1x!tpu.dma_semaphore, #tpu.memory_space<semaphore_mem>>
      %dma_start3A_329 = tpu.memref_squeeze %dma_start3A_328 : memref<1x!tpu.dma_semaphore, #tpu.memory_space<semaphore_mem>> -> memref<!tpu.dma_semaphore, #tpu.memory_space<semaphore_mem>>
      %dma_start3A_330 = tpu.memref_slice %arg4[%multiple_of3A_323] : memref<52428800xf32, #tpu.memory_space<hbm>> -> memref<2048xf32, #tpu.memory_space<hbm>>
      %dma_start3A_331 = arith.constant 4096 : i32
      %dma_start3A_332 = tpu.memref_slice %arg9[%dma_start3A_331] : memref<16384xf32, #tpu.memory_space<vmem>> -> memref<2048xf32, #tpu.memory_space<vmem>>
      tpu.enqueue_dma source(%dma_start3A_332 : memref<2048xf32, #tpu.memory_space<vmem>>) target(%dma_start3A_330 : memref<2048xf32, #tpu.memory_space<hbm>>) target_semaphore(%dma_start3A_329 : memref<!tpu.dma_semaphore, #tpu.memory_space<semaphore_mem>>)
      %add3A_333 = arith.constant 98304 : i32
      %add3A_334 = arith.addi %add3A_296, %add3A_333 : i32
      %multiple_of3A_335 = tpu.assume_multiple %add3A_334, 2048 : i32
      %dma_start3A_336 = arith.constant 0 : i32
      %dma_start3A_337 = arith.constant 6144 : i32
      %dma_start3A_338 = tpu.memref_slice %arg9[%dma_start3A_337] : memref<16384xf32, #tpu.memory_space<vmem>> -> memref<2048xf32, #tpu.memory_space<vmem>>
      %dma_start3A_339 = tpu.memref_slice %arg4[%multiple_of3A_335] : memref<52428800xf32, #tpu.memory_space<hbm>> -> memref<2048xf32, #tpu.memory_space<hbm>>
      %dma_start3A_340 = tpu.memref_slice %arg13[%dma_start3A_336] : memref<3x!tpu.dma_semaphore, #tpu.memory_space<semaphore_mem>> -> memref<1x!tpu.dma_semaphore, #tpu.memory_space<semaphore_mem>>
      %dma_start3A_341 = tpu.memref_squeeze %dma_start3A_340 : memref<1x!tpu.dma_semaphore, #tpu.memory_space<semaphore_mem>> -> memref<!tpu.dma_semaphore, #tpu.memory_space<semaphore_mem>>
      %dma_start3A_342 = tpu.memref_slice %arg4[%multiple_of3A_335] : memref<52428800xf32, #tpu.memory_space<hbm>> -> memref<2048xf32, #tpu.memory_space<hbm>>
      %dma_start3A_343 = arith.constant 6144 : i32
      %dma_start3A_344 = tpu.memref_slice %arg9[%dma_start3A_343] : memref<16384xf32, #tpu.memory_space<vmem>> -> memref<2048xf32, #tpu.memory_space<vmem>>
      tpu.enqueue_dma source(%dma_start3A_344 : memref<2048xf32, #tpu.memory_space<vmem>>) target(%dma_start3A_342 : memref<2048xf32, #tpu.memory_space<hbm>>) target_semaphore(%dma_start3A_341 : memref<!tpu.dma_semaphore, #tpu.memory_space<semaphore_mem>>)
      %add3A_345 = arith.constant 131072 : i32
      %add3A_346 = arith.addi %add3A_296, %add3A_345 : i32
      %multiple_of3A_347 = tpu.assume_multiple %add3A_346, 2048 : i32
      %dma_start3A_348 = arith.constant 0 : i32
      %dma_start3A_349 = arith.constant 8192 : i32
      %dma_start3A_350 = tpu.memref_slice %arg9[%dma_start3A_349] : memref<16384xf32, #tpu.memory_space<vmem>> -> memref<2048xf32, #tpu.memory_space<vmem>>
      %dma_start3A_351 = tpu.memref_slice %arg4[%multiple_of3A_347] : memref<52428800xf32, #tpu.memory_space<hbm>> -> memref<2048xf32, #tpu.memory_space<hbm>>
      %dma_start3A_352 = tpu.memref_slice %arg13[%dma_start3A_348] : memref<3x!tpu.dma_semaphore, #tpu.memory_space<semaphore_mem>> -> memref<1x!tpu.dma_semaphore, #tpu.memory_space<semaphore_mem>>
      %dma_start3A_353 = tpu.memref_squeeze %dma_start3A_352 : memref<1x!tpu.dma_semaphore, #tpu.memory_space<semaphore_mem>> -> memref<!tpu.dma_semaphore, #tpu.memory_space<semaphore_mem>>
      %dma_start3A_354 = tpu.memref_slice %arg4[%multiple_of3A_347] : memref<52428800xf32, #tpu.memory_space<hbm>> -> memref<2048xf32, #tpu.memory_space<hbm>>
      %dma_start3A_355 = arith.constant 8192 : i32
      %dma_start3A_356 = tpu.memref_slice %arg9[%dma_start3A_355] : memref<16384xf32, #tpu.memory_space<vmem>> -> memref<2048xf32, #tpu.memory_space<vmem>>
      tpu.enqueue_dma source(%dma_start3A_356 : memref<2048xf32, #tpu.memory_space<vmem>>) target(%dma_start3A_354 : memref<2048xf32, #tpu.memory_space<hbm>>) target_semaphore(%dma_start3A_353 : memref<!tpu.dma_semaphore, #tpu.memory_space<semaphore_mem>>)
      %add3A_357 = arith.constant 163840 : i32
      %add3A_358 = arith.addi %add3A_296, %add3A_357 : i32
      %multiple_of3A_359 = tpu.assume_multiple %add3A_358, 2048 : i32
      %dma_start3A_360 = arith.constant 0 : i32
      %dma_start3A_361 = arith.constant 10240 : i32
      %dma_start3A_362 = tpu.memref_slice %arg9[%dma_start3A_361] : memref<16384xf32, #tpu.memory_space<vmem>> -> memref<2048xf32, #tpu.memory_space<vmem>>
      %dma_start3A_363 = tpu.memref_slice %arg4[%multiple_of3A_359] : memref<52428800xf32, #tpu.memory_space<hbm>> -> memref<2048xf32, #tpu.memory_space<hbm>>
      %dma_start3A_364 = tpu.memref_slice %arg13[%dma_start3A_360] : memref<3x!tpu.dma_semaphore, #tpu.memory_space<semaphore_mem>> -> memref<1x!tpu.dma_semaphore, #tpu.memory_space<semaphore_mem>>
      %dma_start3A_365 = tpu.memref_squeeze %dma_start3A_364 : memref<1x!tpu.dma_semaphore, #tpu.memory_space<semaphore_mem>> -> memref<!tpu.dma_semaphore, #tpu.memory_space<semaphore_mem>>
      %dma_start3A_366 = tpu.memref_slice %arg4[%multiple_of3A_359] : memref<52428800xf32, #tpu.memory_space<hbm>> -> memref<2048xf32, #tpu.memory_space<hbm>>
      %dma_start3A_367 = arith.constant 10240 : i32
      %dma_start3A_368 = tpu.memref_slice %arg9[%dma_start3A_367] : memref<16384xf32, #tpu.memory_space<vmem>> -> memref<2048xf32, #tpu.memory_space<vmem>>
      tpu.enqueue_dma source(%dma_start3A_368 : memref<2048xf32, #tpu.memory_space<vmem>>) target(%dma_start3A_366 : memref<2048xf32, #tpu.memory_space<hbm>>) target_semaphore(%dma_start3A_365 : memref<!tpu.dma_semaphore, #tpu.memory_space<semaphore_mem>>)
      %add3A_369 = arith.constant 196608 : i32
      %add3A_370 = arith.addi %add3A_296, %add3A_369 : i32
      %multiple_of3A_371 = tpu.assume_multiple %add3A_370, 2048 : i32
      %dma_start3A_372 = arith.constant 0 : i32
      %dma_start3A_373 = arith.constant 12288 : i32
      %dma_start3A_374 = tpu.memref_slice %arg9[%dma_start3A_373] : memref<16384xf32, #tpu.memory_space<vmem>> -> memref<2048xf32, #tpu.memory_space<vmem>>
      %dma_start3A_375 = tpu.memref_slice %arg4[%multiple_of3A_371] : memref<52428800xf32, #tpu.memory_space<hbm>> -> memref<2048xf32, #tpu.memory_space<hbm>>
      %dma_start3A_376 = tpu.memref_slice %arg13[%dma_start3A_372] : memref<3x!tpu.dma_semaphore, #tpu.memory_space<semaphore_mem>> -> memref<1x!tpu.dma_semaphore, #tpu.memory_space<semaphore_mem>>
      %dma_start3A_377 = tpu.memref_squeeze %dma_start3A_376 : memref<1x!tpu.dma_semaphore, #tpu.memory_space<semaphore_mem>> -> memref<!tpu.dma_semaphore, #tpu.memory_space<semaphore_mem>>
      %dma_start3A_378 = tpu.memref_slice %arg4[%multiple_of3A_371] : memref<52428800xf32, #tpu.memory_space<hbm>> -> memref<2048xf32, #tpu.memory_space<hbm>>
      %dma_start3A_379 = arith.constant 12288 : i32
      %dma_start3A_380 = tpu.memref_slice %arg9[%dma_start3A_379] : memref<16384xf32, #tpu.memory_space<vmem>> -> memref<2048xf32, #tpu.memory_space<vmem>>
      tpu.enqueue_dma source(%dma_start3A_380 : memref<2048xf32, #tpu.memory_space<vmem>>) target(%dma_start3A_378 : memref<2048xf32, #tpu.memory_space<hbm>>) target_semaphore(%dma_start3A_377 : memref<!tpu.dma_semaphore, #tpu.memory_space<semaphore_mem>>)
      %add3A_381 = arith.constant 229376 : i32
      %add3A_382 = arith.addi %add3A_296, %add3A_381 : i32
      %multiple_of3A_383 = tpu.assume_multiple %add3A_382, 2048 : i32
      %dma_start3A_384 = arith.constant 0 : i32
      %dma_start3A_385 = arith.constant 14336 : i32
      %dma_start3A_386 = tpu.memref_slice %arg9[%dma_start3A_385] : memref<16384xf32, #tpu.memory_space<vmem>> -> memref<2048xf32, #tpu.memory_space<vmem>>
      %dma_start3A_387 = tpu.memref_slice %arg4[%multiple_of3A_383] : memref<52428800xf32, #tpu.memory_space<hbm>> -> memref<2048xf32, #tpu.memory_space<hbm>>
      %dma_start3A_388 = tpu.memref_slice %arg13[%dma_start3A_384] : memref<3x!tpu.dma_semaphore, #tpu.memory_space<semaphore_mem>> -> memref<1x!tpu.dma_semaphore, #tpu.memory_space<semaphore_mem>>
      %dma_start3A_389 = tpu.memref_squeeze %dma_start3A_388 : memref<1x!tpu.dma_semaphore, #tpu.memory_space<semaphore_mem>> -> memref<!tpu.dma_semaphore, #tpu.memory_space<semaphore_mem>>
      %dma_start3A_390 = tpu.memref_slice %arg4[%multiple_of3A_383] : memref<52428800xf32, #tpu.memory_space<hbm>> -> memref<2048xf32, #tpu.memory_space<hbm>>
      %dma_start3A_391 = arith.constant 14336 : i32
      %dma_start3A_392 = tpu.memref_slice %arg9[%dma_start3A_391] : memref<16384xf32, #tpu.memory_space<vmem>> -> memref<2048xf32, #tpu.memory_space<vmem>>
      tpu.enqueue_dma source(%dma_start3A_392 : memref<2048xf32, #tpu.memory_space<vmem>>) target(%dma_start3A_390 : memref<2048xf32, #tpu.memory_space<hbm>>) target_semaphore(%dma_start3A_389 : memref<!tpu.dma_semaphore, #tpu.memory_space<semaphore_mem>>)
      %mul3A_393 = arith.constant 3 : i32
      %mul3A_394 = arith.muli %scan3A_262, %mul3A_393 : i32
      %add3A_395 = arith.constant 1 : i32
      %add3A_396 = arith.addi %mul3A_394, %add3A_395 : i32
      %add3A_397 = arith.addi %mul3A_2, %add3A_396 : i32
      %add3A_398 = arith.constant 2 : i32
      %add3A_399 = arith.addi %add3A_396, %add3A_398 : i32
      %lt3A_400 = arith.constant 100 : i32
      %lt3A_401 = arith.cmpi slt, %add3A_399, %lt3A_400 : i32
      %convert_element_type3A_402 = arith.extui %lt3A_401 : i1 to i32
      %cond3A_403 = arith.constant 0 : i32
      %cond3A_404 = arith.cmpi ne, %convert_element_type3A_402, %cond3A_403 : i32
      scf.if %cond3A_404 {
        %add3A_661 = arith.constant 2 : i32
        %add3A_662 = arith.addi %add3A_396, %add3A_661 : i32
        %mul3A_663 = arith.constant 256 : i32
        %mul3A_664 = arith.muli %add3A_662, %mul3A_663 : i32
        %add3A_665 = arith.constant 0 : i32
        %add3A_666 = arith.addi %mul3A_664, %add3A_665 : i32
        %multiple_of3A_667 = tpu.assume_multiple %add3A_666, 128 : i32
        %dma_start3A_668 = arith.constant 0 : i32
        %dma_start3A_669 = arith.constant 0 : i32
        %dma_start3A_670 = arith.constant 0 : i32
        %dma_start3A_671 = tpu.memref_slice %arg6[%dma_start3A_669, %dma_start3A_670] : memref<256x64xf32, #tpu.memory_space<vmem>> -> memref<128x64xf32, #tpu.memory_space<vmem>>
        %dma_start3A_672 = tpu.memref_slice %arg5[%multiple_of3A_667] : memref<25600xi32, #tpu.memory_space<vmem>> -> memref<128xi32, #tpu.memory_space<vmem>>
        %dma_start3A_673 = arith.constant 0 : i32
        %dma_start3A_674 = arith.constant 0 : i32
        %dma_start3A_675 = tpu.memref_slice %arg2[%dma_start3A_673, %dma_start3A_674] : memref<1000000x64xf32, #tpu.memory_space<hbm>> -> memref<1000000x64xf32, #tpu.memory_space<hbm>>
        %dma_start3A_676 = tpu.memref_slice %arg12[%dma_start3A_668] : memref<3x!tpu.dma_semaphore, #tpu.memory_space<semaphore_mem>> -> memref<1x!tpu.dma_semaphore, #tpu.memory_space<semaphore_mem>>
        %dma_start3A_677 = tpu.memref_squeeze %dma_start3A_676 : memref<1x!tpu.dma_semaphore, #tpu.memory_space<semaphore_mem>> -> memref<!tpu.dma_semaphore, #tpu.memory_space<semaphore_mem>>
        tpu.enqueue_indirect_dma source(%dma_start3A_675 : memref<1000000x64xf32, #tpu.memory_space<hbm>>) target(%dma_start3A_671 : memref<128x64xf32, #tpu.memory_space<vmem>>) offsets(%dma_start3A_672 : memref<128xi32, #tpu.memory_space<vmem>>) semaphore(%dma_start3A_677 : memref<!tpu.dma_semaphore, #tpu.memory_space<semaphore_mem>>)
        %mul3A_678 = arith.constant 256 : i32
        %mul3A_679 = arith.muli %add3A_662, %mul3A_678 : i32
        %add3A_680 = arith.constant 128 : i32
        %add3A_681 = arith.addi %mul3A_679, %add3A_680 : i32
        %multiple_of3A_682 = tpu.assume_multiple %add3A_681, 128 : i32
        %dma_start3A_683 = arith.constant 0 : i32
        %dma_start3A_684 = arith.constant 128 : i32
        %dma_start3A_685 = arith.constant 0 : i32
        %dma_start3A_686 = tpu.memref_slice %arg6[%dma_start3A_684, %dma_start3A_685] : memref<256x64xf32, #tpu.memory_space<vmem>> -> memref<128x64xf32, #tpu.memory_space<vmem>>
        %dma_start3A_687 = tpu.memref_slice %arg5[%multiple_of3A_682] : memref<25600xi32, #tpu.memory_space<vmem>> -> memref<128xi32, #tpu.memory_space<vmem>>
        %dma_start3A_688 = arith.constant 0 : i32
        %dma_start3A_689 = arith.constant 0 : i32
        %dma_start3A_690 = tpu.memref_slice %arg2[%dma_start3A_688, %dma_start3A_689] : memref<1000000x64xf32, #tpu.memory_space<hbm>> -> memref<1000000x64xf32, #tpu.memory_space<hbm>>
        %dma_start3A_691 = tpu.memref_slice %arg12[%dma_start3A_683] : memref<3x!tpu.dma_semaphore, #tpu.memory_space<semaphore_mem>> -> memref<1x!tpu.dma_semaphore, #tpu.memory_space<semaphore_mem>>
        %dma_start3A_692 = tpu.memref_squeeze %dma_start3A_691 : memref<1x!tpu.dma_semaphore, #tpu.memory_space<semaphore_mem>> -> memref<!tpu.dma_semaphore, #tpu.memory_space<semaphore_mem>>
        tpu.enqueue_indirect_dma source(%dma_start3A_690 : memref<1000000x64xf32, #tpu.memory_space<hbm>>) target(%dma_start3A_686 : memref<128x64xf32, #tpu.memory_space<vmem>>) offsets(%dma_start3A_687 : memref<128xi32, #tpu.memory_space<vmem>>) semaphore(%dma_start3A_692 : memref<!tpu.dma_semaphore, #tpu.memory_space<semaphore_mem>>)
      } else {
      }
      %dma_wait3A_405 = arith.constant 1 : i32
      %dma_wait3A_406 = arith.constant 0 : i32
      %dma_wait3A_407 = arith.constant 0 : i32
      %dma_wait3A_408 = tpu.memref_slice %arg2[%dma_wait3A_406, %dma_wait3A_407] : memref<1000000x64xf32, #tpu.memory_space<hbm>> -> memref<256x64xf32, #tpu.memory_space<hbm>>
      %dma_wait3A_409 = tpu.memref_slice %arg12[%dma_wait3A_405] : memref<3x!tpu.dma_semaphore, #tpu.memory_space<semaphore_mem>> -> memref<1x!tpu.dma_semaphore, #tpu.memory_space<semaphore_mem>>
      %dma_wait3A_410 = tpu.memref_squeeze %dma_wait3A_409 : memref<1x!tpu.dma_semaphore, #tpu.memory_space<semaphore_mem>> -> memref<!tpu.dma_semaphore, #tpu.memory_space<semaphore_mem>>
      %dma_wait3A_411 = arith.constant 0 : i32
      %dma_wait3A_412 = arith.constant 0 : i32
      %dma_wait3A_413 = tpu.memref_slice %arg2[%dma_wait3A_411, %dma_wait3A_412] : memref<1000000x64xf32, #tpu.memory_space<hbm>> -> memref<256x64xf32, #tpu.memory_space<hbm>>
      tpu.wait_dma2 semaphore(%dma_wait3A_410 : memref<!tpu.dma_semaphore, #tpu.memory_space<semaphore_mem>>) src(%dma_wait3A_413 : memref<256x64xf32, #tpu.memory_space<hbm>>) dst(%arg7 : memref<256x64xf32, #tpu.memory_space<vmem>>)
      %ge3A_414 = arith.constant 3 : i32
      %ge3A_415 = arith.cmpi sge, %add3A_396, %ge3A_414 : i32
      %convert_element_type3A_416 = arith.extui %ge3A_415 : i1 to i32
      %cond3A_417 = arith.constant 0 : i32
      %cond3A_418 = arith.cmpi ne, %convert_element_type3A_416, %cond3A_417 : i32
      scf.if %cond3A_418 {
        %dma_wait3A_661 = arith.constant 1 : i32
        %dma_wait3A_662 = arith.constant 0 : i32
        %dma_wait3A_663 = tpu.memref_slice %arg4[%dma_wait3A_662] : memref<52428800xf32, #tpu.memory_space<hbm>> -> memref<16384xf32, #tpu.memory_space<hbm>>
        %dma_wait3A_664 = tpu.memref_slice %arg13[%dma_wait3A_661] : memref<3x!tpu.dma_semaphore, #tpu.memory_space<semaphore_mem>> -> memref<1x!tpu.dma_semaphore, #tpu.memory_space<semaphore_mem>>
        %dma_wait3A_665 = tpu.memref_squeeze %dma_wait3A_664 : memref<1x!tpu.dma_semaphore, #tpu.memory_space<semaphore_mem>> -> memref<!tpu.dma_semaphore, #tpu.memory_space<semaphore_mem>>
        %dma_wait3A_666 = arith.constant 0 : i32
        %dma_wait3A_667 = tpu.memref_slice %arg4[%dma_wait3A_666] : memref<52428800xf32, #tpu.memory_space<hbm>> -> memref<16384xf32, #tpu.memory_space<hbm>>
        tpu.wait_dma2 semaphore(%dma_wait3A_665 : memref<!tpu.dma_semaphore, #tpu.memory_space<semaphore_mem>>) src(%dma_wait3A_667 : memref<16384xf32, #tpu.memory_space<hbm>>) dst(%arg10 : memref<16384xf32, #tpu.memory_space<vmem>>)
      } else {
      }
      %parallel_loop3A_419 = arith.constant 0 : i32
      %parallel_loop3A_420 = arith.constant 256 : i32
      %parallel_loop3A_421 = arith.constant 1 : i32
      scf.for %parallel_loop3A_661 = %parallel_loop3A_419 to %parallel_loop3A_420 step %parallel_loop3A_421  : i32 {
        %parallel_loop3A_662 = arith.constant 128 : i32
        %parallel_loop3A_663 = arith.divsi %parallel_loop3A_661, %parallel_loop3A_662 : i32
        %parallel_loop3A_664 = arith.constant 1024 : i32
        %parallel_loop3A_665 = arith.muli %parallel_loop3A_663, %parallel_loop3A_664 : i32
        %parallel_loop3A_666 = arith.constant 128 : i32
        %parallel_loop3A_667 = arith.remsi %parallel_loop3A_661, %parallel_loop3A_666 : i32
        %parallel_loop3A_668 = arith.addi %parallel_loop3A_665, %parallel_loop3A_667 : i32
        %parallel_loop3A_669 = arith.index_cast %parallel_loop3A_661 : i32 to index
        %parallel_loop3A_670 = arith.constant 0 : index
        %parallel_loop3A_671 = tpu.vector_load %arg7[%parallel_loop3A_669, %parallel_loop3A_670] {strides = array<i32>} : memref<256x64xf32, #tpu.memory_space<vmem>>, vector<16xf32>,
        %parallel_loop3A_672 = vector.broadcast %parallel_loop3A_668 : i32 to vector<16xi32>
        %parallel_loop3A_673 = arith.addi %add3A_16, %parallel_loop3A_672 : vector<16xi32>
        tpu.vector_store_idx %arg10[%parallel_loop3A_673], %parallel_loop3A_671 : memref<16384xf32, #tpu.memory_space<vmem>>[vector<16xi32>], vector<16xf32>,
        %parallel_loop3A_674 = arith.index_cast %parallel_loop3A_661 : i32 to index
        %parallel_loop3A_675 = arith.constant 16 : index
        %parallel_loop3A_676 = tpu.vector_load %arg7[%parallel_loop3A_674, %parallel_loop3A_675] {strides = array<i32>} : memref<256x64xf32, #tpu.memory_space<vmem>>, vector<16xf32>,
        %parallel_loop3A_677 = vector.broadcast %parallel_loop3A_668 : i32 to vector<16xi32>
        %parallel_loop3A_678 = arith.addi %add3A_32, %parallel_loop3A_677 : vector<16xi32>
        tpu.vector_store_idx %arg10[%parallel_loop3A_678], %parallel_loop3A_676 : memref<16384xf32, #tpu.memory_space<vmem>>[vector<16xi32>], vector<16xf32>,
        %parallel_loop3A_679 = arith.index_cast %parallel_loop3A_661 : i32 to index
        %parallel_loop3A_680 = arith.constant 32 : index
        %parallel_loop3A_681 = tpu.vector_load %arg7[%parallel_loop3A_679, %parallel_loop3A_680] {strides = array<i32>} : memref<256x64xf32, #tpu.memory_space<vmem>>, vector<16xf32>,
        %parallel_loop3A_682 = vector.broadcast %parallel_loop3A_668 : i32 to vector<16xi32>
        %parallel_loop3A_683 = arith.addi %add3A_48, %parallel_loop3A_682 : vector<16xi32>
        tpu.vector_store_idx %arg10[%parallel_loop3A_683], %parallel_loop3A_681 : memref<16384xf32, #tpu.memory_space<vmem>>[vector<16xi32>], vector<16xf32>,
        %parallel_loop3A_684 = arith.index_cast %parallel_loop3A_661 : i32 to index
        %parallel_loop3A_685 = arith.constant 48 : index
        %parallel_loop3A_686 = tpu.vector_load %arg7[%parallel_loop3A_684, %parallel_loop3A_685] {strides = array<i32>} : memref<256x64xf32, #tpu.memory_space<vmem>>, vector<16xf32>,
        %parallel_loop3A_687 = vector.broadcast %parallel_loop3A_668 : i32 to vector<16xi32>
        %parallel_loop3A_688 = arith.addi %add3A_64, %parallel_loop3A_687 : vector<16xi32>
        tpu.vector_store_idx %arg10[%parallel_loop3A_688], %parallel_loop3A_686 : memref<16384xf32, #tpu.memory_space<vmem>>[vector<16xi32>], vector<16xf32>,
      } {sc.loop_unroll_factor = 8 : i64, sc.parallel_access}
      %div3A_422 = arith.constant 16 : i32
      %div3A_423 = arith.divsi %add3A_397, %div3A_422 : i32
      %rem3A_424 = arith.constant 16 : i32
      %rem3A_425 = arith.remsi %add3A_397, %rem3A_424 : i32
      %mul3A_426 = arith.constant 262144 : i32
      %mul3A_427 = arith.muli %div3A_423, %mul3A_426 : i32
      %mul3A_428 = arith.constant 2048 : i32
      %mul3A_429 = arith.muli %rem3A_425, %mul3A_428 : i32
      %add3A_430 = arith.addi %mul3A_427, %mul3A_429 : i32
      %add3A_431 = arith.constant 0 : i32
      %add3A_432 = arith.addi %add3A_430, %add3A_431 : i32
      %multiple_of3A_433 = tpu.assume_multiple %add3A_432, 2048 : i32
      %dma_start3A_434 = arith.constant 1 : i32
      %dma_start3A_435 = arith.constant 0 : i32
      %dma_start3A_436 = tpu.memref_slice %arg10[%dma_start3A_435] : memref<16384xf32, #tpu.memory_space<vmem>> -> memref<2048xf32, #tpu.memory_space<vmem>>
      %dma_start3A_437 = tpu.memref_slice %arg4[%multiple_of3A_433] : memref<52428800xf32, #tpu.memory_space<hbm>> -> memref<2048xf32, #tpu.memory_space<hbm>>
      %dma_start3A_438 = tpu.memref_slice %arg13[%dma_start3A_434] : memref<3x!tpu.dma_semaphore, #tpu.memory_space<semaphore_mem>> -> memref<1x!tpu.dma_semaphore, #tpu.memory_space<semaphore_mem>>
      %dma_start3A_439 = tpu.memref_squeeze %dma_start3A_438 : memref<1x!tpu.dma_semaphore, #tpu.memory_space<semaphore_mem>> -> memref<!tpu.dma_semaphore, #tpu.memory_space<semaphore_mem>>
      %dma_start3A_440 = tpu.memref_slice %arg4[%multiple_of3A_433] : memref<52428800xf32, #tpu.memory_space<hbm>> -> memref<2048xf32, #tpu.memory_space<hbm>>
      %dma_start3A_441 = arith.constant 0 : i32
      %dma_start3A_442 = tpu.memref_slice %arg10[%dma_start3A_441] : memref<16384xf32, #tpu.memory_space<vmem>> -> memref<2048xf32, #tpu.memory_space<vmem>>
      tpu.enqueue_dma source(%dma_start3A_442 : memref<2048xf32, #tpu.memory_space<vmem>>) target(%dma_start3A_440 : memref<2048xf32, #tpu.memory_space<hbm>>) target_semaphore(%dma_start3A_439 : memref<!tpu.dma_semaphore, #tpu.memory_space<semaphore_mem>>)
      %add3A_443 = arith.constant 32768 : i32
      %add3A_444 = arith.addi %add3A_430, %add3A_443 : i32
      %multiple_of3A_445 = tpu.assume_multiple %add3A_444, 2048 : i32
      %dma_start3A_446 = arith.constant 1 : i32
      %dma_start3A_447 = arith.constant 2048 : i32
      %dma_start3A_448 = tpu.memref_slice %arg10[%dma_start3A_447] : memref<16384xf32, #tpu.memory_space<vmem>> -> memref<2048xf32, #tpu.memory_space<vmem>>
      %dma_start3A_449 = tpu.memref_slice %arg4[%multiple_of3A_445] : memref<52428800xf32, #tpu.memory_space<hbm>> -> memref<2048xf32, #tpu.memory_space<hbm>>
      %dma_start3A_450 = tpu.memref_slice %arg13[%dma_start3A_446] : memref<3x!tpu.dma_semaphore, #tpu.memory_space<semaphore_mem>> -> memref<1x!tpu.dma_semaphore, #tpu.memory_space<semaphore_mem>>
      %dma_start3A_451 = tpu.memref_squeeze %dma_start3A_450 : memref<1x!tpu.dma_semaphore, #tpu.memory_space<semaphore_mem>> -> memref<!tpu.dma_semaphore, #tpu.memory_space<semaphore_mem>>
      %dma_start3A_452 = tpu.memref_slice %arg4[%multiple_of3A_445] : memref<52428800xf32, #tpu.memory_space<hbm>> -> memref<2048xf32, #tpu.memory_space<hbm>>
      %dma_start3A_453 = arith.constant 2048 : i32
      %dma_start3A_454 = tpu.memref_slice %arg10[%dma_start3A_453] : memref<16384xf32, #tpu.memory_space<vmem>> -> memref<2048xf32, #tpu.memory_space<vmem>>
      tpu.enqueue_dma source(%dma_start3A_454 : memref<2048xf32, #tpu.memory_space<vmem>>) target(%dma_start3A_452 : memref<2048xf32, #tpu.memory_space<hbm>>) target_semaphore(%dma_start3A_451 : memref<!tpu.dma_semaphore, #tpu.memory_space<semaphore_mem>>)
      %add3A_455 = arith.constant 65536 : i32
      %add3A_456 = arith.addi %add3A_430, %add3A_455 : i32
      %multiple_of3A_457 = tpu.assume_multiple %add3A_456, 2048 : i32
      %dma_start3A_458 = arith.constant 1 : i32
      %dma_start3A_459 = arith.constant 4096 : i32
      %dma_start3A_460 = tpu.memref_slice %arg10[%dma_start3A_459] : memref<16384xf32, #tpu.memory_space<vmem>> -> memref<2048xf32, #tpu.memory_space<vmem>>
      %dma_start3A_461 = tpu.memref_slice %arg4[%multiple_of3A_457] : memref<52428800xf32, #tpu.memory_space<hbm>> -> memref<2048xf32, #tpu.memory_space<hbm>>
      %dma_start3A_462 = tpu.memref_slice %arg13[%dma_start3A_458] : memref<3x!tpu.dma_semaphore, #tpu.memory_space<semaphore_mem>> -> memref<1x!tpu.dma_semaphore, #tpu.memory_space<semaphore_mem>>
      %dma_start3A_463 = tpu.memref_squeeze %dma_start3A_462 : memref<1x!tpu.dma_semaphore, #tpu.memory_space<semaphore_mem>> -> memref<!tpu.dma_semaphore, #tpu.memory_space<semaphore_mem>>
      %dma_start3A_464 = tpu.memref_slice %arg4[%multiple_of3A_457] : memref<52428800xf32, #tpu.memory_space<hbm>> -> memref<2048xf32, #tpu.memory_space<hbm>>
      %dma_start3A_465 = arith.constant 4096 : i32
      %dma_start3A_466 = tpu.memref_slice %arg10[%dma_start3A_465] : memref<16384xf32, #tpu.memory_space<vmem>> -> memref<2048xf32, #tpu.memory_space<vmem>>
      tpu.enqueue_dma source(%dma_start3A_466 : memref<2048xf32, #tpu.memory_space<vmem>>) target(%dma_start3A_464 : memref<2048xf32, #tpu.memory_space<hbm>>) target_semaphore(%dma_start3A_463 : memref<!tpu.dma_semaphore, #tpu.memory_space<semaphore_mem>>)
      %add3A_467 = arith.constant 98304 : i32
      %add3A_468 = arith.addi %add3A_430, %add3A_467 : i32
      %multiple_of3A_469 = tpu.assume_multiple %add3A_468, 2048 : i32
      %dma_start3A_470 = arith.constant 1 : i32
      %dma_start3A_471 = arith.constant 6144 : i32
      %dma_start3A_472 = tpu.memref_slice %arg10[%dma_start3A_471] : memref<16384xf32, #tpu.memory_space<vmem>> -> memref<2048xf32, #tpu.memory_space<vmem>>
      %dma_start3A_473 = tpu.memref_slice %arg4[%multiple_of3A_469] : memref<52428800xf32, #tpu.memory_space<hbm>> -> memref<2048xf32, #tpu.memory_space<hbm>>
      %dma_start3A_474 = tpu.memref_slice %arg13[%dma_start3A_470] : memref<3x!tpu.dma_semaphore, #tpu.memory_space<semaphore_mem>> -> memref<1x!tpu.dma_semaphore, #tpu.memory_space<semaphore_mem>>
      %dma_start3A_475 = tpu.memref_squeeze %dma_start3A_474 : memref<1x!tpu.dma_semaphore, #tpu.memory_space<semaphore_mem>> -> memref<!tpu.dma_semaphore, #tpu.memory_space<semaphore_mem>>
      %dma_start3A_476 = tpu.memref_slice %arg4[%multiple_of3A_469] : memref<52428800xf32, #tpu.memory_space<hbm>> -> memref<2048xf32, #tpu.memory_space<hbm>>
      %dma_start3A_477 = arith.constant 6144 : i32
      %dma_start3A_478 = tpu.memref_slice %arg10[%dma_start3A_477] : memref<16384xf32, #tpu.memory_space<vmem>> -> memref<2048xf32, #tpu.memory_space<vmem>>
      tpu.enqueue_dma source(%dma_start3A_478 : memref<2048xf32, #tpu.memory_space<vmem>>) target(%dma_start3A_476 : memref<2048xf32, #tpu.memory_space<hbm>>) target_semaphore(%dma_start3A_475 : memref<!tpu.dma_semaphore, #tpu.memory_space<semaphore_mem>>)
      %add3A_479 = arith.constant 131072 : i32
      %add3A_480 = arith.addi %add3A_430, %add3A_479 : i32
      %multiple_of3A_481 = tpu.assume_multiple %add3A_480, 2048 : i32
      %dma_start3A_482 = arith.constant 1 : i32
      %dma_start3A_483 = arith.constant 8192 : i32
      %dma_start3A_484 = tpu.memref_slice %arg10[%dma_start3A_483] : memref<16384xf32, #tpu.memory_space<vmem>> -> memref<2048xf32, #tpu.memory_space<vmem>>
      %dma_start3A_485 = tpu.memref_slice %arg4[%multiple_of3A_481] : memref<52428800xf32, #tpu.memory_space<hbm>> -> memref<2048xf32, #tpu.memory_space<hbm>>
      %dma_start3A_486 = tpu.memref_slice %arg13[%dma_start3A_482] : memref<3x!tpu.dma_semaphore, #tpu.memory_space<semaphore_mem>> -> memref<1x!tpu.dma_semaphore, #tpu.memory_space<semaphore_mem>>
      %dma_start3A_487 = tpu.memref_squeeze %dma_start3A_486 : memref<1x!tpu.dma_semaphore, #tpu.memory_space<semaphore_mem>> -> memref<!tpu.dma_semaphore, #tpu.memory_space<semaphore_mem>>
      %dma_start3A_488 = tpu.memref_slice %arg4[%multiple_of3A_481] : memref<52428800xf32, #tpu.memory_space<hbm>> -> memref<2048xf32, #tpu.memory_space<hbm>>
      %dma_start3A_489 = arith.constant 8192 : i32
      %dma_start3A_490 = tpu.memref_slice %arg10[%dma_start3A_489] : memref<16384xf32, #tpu.memory_space<vmem>> -> memref<2048xf32, #tpu.memory_space<vmem>>
      tpu.enqueue_dma source(%dma_start3A_490 : memref<2048xf32, #tpu.memory_space<vmem>>) target(%dma_start3A_488 : memref<2048xf32, #tpu.memory_space<hbm>>) target_semaphore(%dma_start3A_487 : memref<!tpu.dma_semaphore, #tpu.memory_space<semaphore_mem>>)
      %add3A_491 = arith.constant 163840 : i32
      %add3A_492 = arith.addi %add3A_430, %add3A_491 : i32
      %multiple_of3A_493 = tpu.assume_multiple %add3A_492, 2048 : i32
      %dma_start3A_494 = arith.constant 1 : i32
      %dma_start3A_495 = arith.constant 10240 : i32
      %dma_start3A_496 = tpu.memref_slice %arg10[%dma_start3A_495] : memref<16384xf32, #tpu.memory_space<vmem>> -> memref<2048xf32, #tpu.memory_space<vmem>>
      %dma_start3A_497 = tpu.memref_slice %arg4[%multiple_of3A_493] : memref<52428800xf32, #tpu.memory_space<hbm>> -> memref<2048xf32, #tpu.memory_space<hbm>>
      %dma_start3A_498 = tpu.memref_slice %arg13[%dma_start3A_494] : memref<3x!tpu.dma_semaphore, #tpu.memory_space<semaphore_mem>> -> memref<1x!tpu.dma_semaphore, #tpu.memory_space<semaphore_mem>>
      %dma_start3A_499 = tpu.memref_squeeze %dma_start3A_498 : memref<1x!tpu.dma_semaphore, #tpu.memory_space<semaphore_mem>> -> memref<!tpu.dma_semaphore, #tpu.memory_space<semaphore_mem>>
      %dma_start3A_500 = tpu.memref_slice %arg4[%multiple_of3A_493] : memref<52428800xf32, #tpu.memory_space<hbm>> -> memref<2048xf32, #tpu.memory_space<hbm>>
      %dma_start3A_501 = arith.constant 10240 : i32
      %dma_start3A_502 = tpu.memref_slice %arg10[%dma_start3A_501] : memref<16384xf32, #tpu.memory_space<vmem>> -> memref<2048xf32, #tpu.memory_space<vmem>>
      tpu.enqueue_dma source(%dma_start3A_502 : memref<2048xf32, #tpu.memory_space<vmem>>) target(%dma_start3A_500 : memref<2048xf32, #tpu.memory_space<hbm>>) target_semaphore(%dma_start3A_499 : memref<!tpu.dma_semaphore, #tpu.memory_space<semaphore_mem>>)
      %add3A_503 = arith.constant 196608 : i32
      %add3A_504 = arith.addi %add3A_430, %add3A_503 : i32
      %multiple_of3A_505 = tpu.assume_multiple %add3A_504, 2048 : i32
      %dma_start3A_506 = arith.constant 1 : i32
      %dma_start3A_507 = arith.constant 12288 : i32
      %dma_start3A_508 = tpu.memref_slice %arg10[%dma_start3A_507] : memref<16384xf32, #tpu.memory_space<vmem>> -> memref<2048xf32, #tpu.memory_space<vmem>>
      %dma_start3A_509 = tpu.memref_slice %arg4[%multiple_of3A_505] : memref<52428800xf32, #tpu.memory_space<hbm>> -> memref<2048xf32, #tpu.memory_space<hbm>>
      %dma_start3A_510 = tpu.memref_slice %arg13[%dma_start3A_506] : memref<3x!tpu.dma_semaphore, #tpu.memory_space<semaphore_mem>> -> memref<1x!tpu.dma_semaphore, #tpu.memory_space<semaphore_mem>>
      %dma_start3A_511 = tpu.memref_squeeze %dma_start3A_510 : memref<1x!tpu.dma_semaphore, #tpu.memory_space<semaphore_mem>> -> memref<!tpu.dma_semaphore, #tpu.memory_space<semaphore_mem>>
      %dma_start3A_512 = tpu.memref_slice %arg4[%multiple_of3A_505] : memref<52428800xf32, #tpu.memory_space<hbm>> -> memref<2048xf32, #tpu.memory_space<hbm>>
      %dma_start3A_513 = arith.constant 12288 : i32
      %dma_start3A_514 = tpu.memref_slice %arg10[%dma_start3A_513] : memref<16384xf32, #tpu.memory_space<vmem>> -> memref<2048xf32, #tpu.memory_space<vmem>>
      tpu.enqueue_dma source(%dma_start3A_514 : memref<2048xf32, #tpu.memory_space<vmem>>) target(%dma_start3A_512 : memref<2048xf32, #tpu.memory_space<hbm>>) target_semaphore(%dma_start3A_511 : memref<!tpu.dma_semaphore, #tpu.memory_space<semaphore_mem>>)
      %add3A_515 = arith.constant 229376 : i32
      %add3A_516 = arith.addi %add3A_430, %add3A_515 : i32
      %multiple_of3A_517 = tpu.assume_multiple %add3A_516, 2048 : i32
      %dma_start3A_518 = arith.constant 1 : i32
      %dma_start3A_519 = arith.constant 14336 : i32
      %dma_start3A_520 = tpu.memref_slice %arg10[%dma_start3A_519] : memref<16384xf32, #tpu.memory_space<vmem>> -> memref<2048xf32, #tpu.memory_space<vmem>>
      %dma_start3A_521 = tpu.memref_slice %arg4[%multiple_of3A_517] : memref<52428800xf32, #tpu.memory_space<hbm>> -> memref<2048xf32, #tpu.memory_space<hbm>>
      %dma_start3A_522 = tpu.memref_slice %arg13[%dma_start3A_518] : memref<3x!tpu.dma_semaphore, #tpu.memory_space<semaphore_mem>> -> memref<1x!tpu.dma_semaphore, #tpu.memory_space<semaphore_mem>>
      %dma_start3A_523 = tpu.memref_squeeze %dma_start3A_522 : memref<1x!tpu.dma_semaphore, #tpu.memory_space<semaphore_mem>> -> memref<!tpu.dma_semaphore, #tpu.memory_space<semaphore_mem>>
      %dma_start3A_524 = tpu.memref_slice %arg4[%multiple_of3A_517] : memref<52428800xf32, #tpu.memory_space<hbm>> -> memref<2048xf32, #tpu.memory_space<hbm>>
      %dma_start3A_525 = arith.constant 14336 : i32
      %dma_start3A_526 = tpu.memref_slice %arg10[%dma_start3A_525] : memref<16384xf32, #tpu.memory_space<vmem>> -> memref<2048xf32, #tpu.memory_space<vmem>>
      tpu.enqueue_dma source(%dma_start3A_526 : memref<2048xf32, #tpu.memory_space<vmem>>) target(%dma_start3A_524 : memref<2048xf32, #tpu.memory_space<hbm>>) target_semaphore(%dma_start3A_523 : memref<!tpu.dma_semaphore, #tpu.memory_space<semaphore_mem>>)
      %mul3A_527 = arith.constant 3 : i32
      %mul3A_528 = arith.muli %scan3A_262, %mul3A_527 : i32
      %add3A_529 = arith.constant 2 : i32
      %add3A_530 = arith.addi %mul3A_528, %add3A_529 : i32
      %add3A_531 = arith.addi %mul3A_2, %add3A_530 : i32
      %add3A_532 = arith.constant 2 : i32
      %add3A_533 = arith.addi %add3A_530, %add3A_532 : i32
      %lt3A_534 = arith.constant 100 : i32
      %lt3A_535 = arith.cmpi slt, %add3A_533, %lt3A_534 : i32
      %convert_element_type3A_536 = arith.extui %lt3A_535 : i1 to i32
      %cond3A_537 = arith.constant 0 : i32
      %cond3A_538 = arith.cmpi ne, %convert_element_type3A_536, %cond3A_537 : i32
      scf.if %cond3A_538 {
        %add3A_661 = arith.constant 2 : i32
        %add3A_662 = arith.addi %add3A_530, %add3A_661 : i32
        %mul3A_663 = arith.constant 256 : i32
        %mul3A_664 = arith.muli %add3A_662, %mul3A_663 : i32
        %add3A_665 = arith.constant 0 : i32
        %add3A_666 = arith.addi %mul3A_664, %add3A_665 : i32
        %multiple_of3A_667 = tpu.assume_multiple %add3A_666, 128 : i32
        %dma_start3A_668 = arith.constant 1 : i32
        %dma_start3A_669 = arith.constant 0 : i32
        %dma_start3A_670 = arith.constant 0 : i32
        %dma_start3A_671 = tpu.memref_slice %arg7[%dma_start3A_669, %dma_start3A_670] : memref<256x64xf32, #tpu.memory_space<vmem>> -> memref<128x64xf32, #tpu.memory_space<vmem>>
        %dma_start3A_672 = tpu.memref_slice %arg5[%multiple_of3A_667] : memref<25600xi32, #tpu.memory_space<vmem>> -> memref<128xi32, #tpu.memory_space<vmem>>
        %dma_start3A_673 = arith.constant 0 : i32
        %dma_start3A_674 = arith.constant 0 : i32
        %dma_start3A_675 = tpu.memref_slice %arg2[%dma_start3A_673, %dma_start3A_674] : memref<1000000x64xf32, #tpu.memory_space<hbm>> -> memref<1000000x64xf32, #tpu.memory_space<hbm>>
        %dma_start3A_676 = tpu.memref_slice %arg12[%dma_start3A_668] : memref<3x!tpu.dma_semaphore, #tpu.memory_space<semaphore_mem>> -> memref<1x!tpu.dma_semaphore, #tpu.memory_space<semaphore_mem>>
        %dma_start3A_677 = tpu.memref_squeeze %dma_start3A_676 : memref<1x!tpu.dma_semaphore, #tpu.memory_space<semaphore_mem>> -> memref<!tpu.dma_semaphore, #tpu.memory_space<semaphore_mem>>
        tpu.enqueue_indirect_dma source(%dma_start3A_675 : memref<1000000x64xf32, #tpu.memory_space<hbm>>) target(%dma_start3A_671 : memref<128x64xf32, #tpu.memory_space<vmem>>) offsets(%dma_start3A_672 : memref<128xi32, #tpu.memory_space<vmem>>) semaphore(%dma_start3A_677 : memref<!tpu.dma_semaphore, #tpu.memory_space<semaphore_mem>>)
        %mul3A_678 = arith.constant 256 : i32
        %mul3A_679 = arith.muli %add3A_662, %mul3A_678 : i32
        %add3A_680 = arith.constant 128 : i32
        %add3A_681 = arith.addi %mul3A_679, %add3A_680 : i32
        %multiple_of3A_682 = tpu.assume_multiple %add3A_681, 128 : i32
        %dma_start3A_683 = arith.constant 1 : i32
        %dma_start3A_684 = arith.constant 128 : i32
        %dma_start3A_685 = arith.constant 0 : i32
        %dma_start3A_686 = tpu.memref_slice %arg7[%dma_start3A_684, %dma_start3A_685] : memref<256x64xf32, #tpu.memory_space<vmem>> -> memref<128x64xf32, #tpu.memory_space<vmem>>
        %dma_start3A_687 = tpu.memref_slice %arg5[%multiple_of3A_682] : memref<25600xi32, #tpu.memory_space<vmem>> -> memref<128xi32, #tpu.memory_space<vmem>>
        %dma_start3A_688 = arith.constant 0 : i32
        %dma_start3A_689 = arith.constant 0 : i32
        %dma_start3A_690 = tpu.memref_slice %arg2[%dma_start3A_688, %dma_start3A_689] : memref<1000000x64xf32, #tpu.memory_space<hbm>> -> memref<1000000x64xf32, #tpu.memory_space<hbm>>
        %dma_start3A_691 = tpu.memref_slice %arg12[%dma_start3A_683] : memref<3x!tpu.dma_semaphore, #tpu.memory_space<semaphore_mem>> -> memref<1x!tpu.dma_semaphore, #tpu.memory_space<semaphore_mem>>
        %dma_start3A_692 = tpu.memref_squeeze %dma_start3A_691 : memref<1x!tpu.dma_semaphore, #tpu.memory_space<semaphore_mem>> -> memref<!tpu.dma_semaphore, #tpu.memory_space<semaphore_mem>>
        tpu.enqueue_indirect_dma source(%dma_start3A_690 : memref<1000000x64xf32, #tpu.memory_space<hbm>>) target(%dma_start3A_686 : memref<128x64xf32, #tpu.memory_space<vmem>>) offsets(%dma_start3A_687 : memref<128xi32, #tpu.memory_space<vmem>>) semaphore(%dma_start3A_692 : memref<!tpu.dma_semaphore, #tpu.memory_space<semaphore_mem>>)
      } else {
      }
      %dma_wait3A_539 = arith.constant 2 : i32
      %dma_wait3A_540 = arith.constant 0 : i32
      %dma_wait3A_541 = arith.constant 0 : i32
      %dma_wait3A_542 = tpu.memref_slice %arg2[%dma_wait3A_540, %dma_wait3A_541] : memref<1000000x64xf32, #tpu.memory_space<hbm>> -> memref<256x64xf32, #tpu.memory_space<hbm>>
      %dma_wait3A_543 = tpu.memref_slice %arg12[%dma_wait3A_539] : memref<3x!tpu.dma_semaphore, #tpu.memory_space<semaphore_mem>> -> memref<1x!tpu.dma_semaphore, #tpu.memory_space<semaphore_mem>>
      %dma_wait3A_544 = tpu.memref_squeeze %dma_wait3A_543 : memref<1x!tpu.dma_semaphore, #tpu.memory_space<semaphore_mem>> -> memref<!tpu.dma_semaphore, #tpu.memory_space<semaphore_mem>>
      %dma_wait3A_545 = arith.constant 0 : i32
      %dma_wait3A_546 = arith.constant 0 : i32
      %dma_wait3A_547 = tpu.memref_slice %arg2[%dma_wait3A_545, %dma_wait3A_546] : memref<1000000x64xf32, #tpu.memory_space<hbm>> -> memref<256x64xf32, #tpu.memory_space<hbm>>
      tpu.wait_dma2 semaphore(%dma_wait3A_544 : memref<!tpu.dma_semaphore, #tpu.memory_space<semaphore_mem>>) src(%dma_wait3A_547 : memref<256x64xf32, #tpu.memory_space<hbm>>) dst(%arg8 : memref<256x64xf32, #tpu.memory_space<vmem>>)
      %ge3A_548 = arith.constant 3 : i32
      %ge3A_549 = arith.cmpi sge, %add3A_530, %ge3A_548 : i32
      %convert_element_type3A_550 = arith.extui %ge3A_549 : i1 to i32
      %cond3A_551 = arith.constant 0 : i32
      %cond3A_552 = arith.cmpi ne, %convert_element_type3A_550, %cond3A_551 : i32
      scf.if %cond3A_552 {
        %dma_wait3A_661 = arith.constant 2 : i32
        %dma_wait3A_662 = arith.constant 0 : i32
        %dma_wait3A_663 = tpu.memref_slice %arg4[%dma_wait3A_662] : memref<52428800xf32, #tpu.memory_space<hbm>> -> memref<16384xf32, #tpu.memory_space<hbm>>
        %dma_wait3A_664 = tpu.memref_slice %arg13[%dma_wait3A_661] : memref<3x!tpu.dma_semaphore, #tpu.memory_space<semaphore_mem>> -> memref<1x!tpu.dma_semaphore, #tpu.memory_space<semaphore_mem>>
        %dma_wait3A_665 = tpu.memref_squeeze %dma_wait3A_664 : memref<1x!tpu.dma_semaphore, #tpu.memory_space<semaphore_mem>> -> memref<!tpu.dma_semaphore, #tpu.memory_space<semaphore_mem>>
        %dma_wait3A_666 = arith.constant 0 : i32
        %dma_wait3A_667 = tpu.memref_slice %arg4[%dma_wait3A_666] : memref<52428800xf32, #tpu.memory_space<hbm>> -> memref<16384xf32, #tpu.memory_space<hbm>>
        tpu.wait_dma2 semaphore(%dma_wait3A_665 : memref<!tpu.dma_semaphore, #tpu.memory_space<semaphore_mem>>) src(%dma_wait3A_667 : memref<16384xf32, #tpu.memory_space<hbm>>) dst(%arg11 : memref<16384xf32, #tpu.memory_space<vmem>>)
      } else {
      }
      %parallel_loop3A_553 = arith.constant 0 : i32
      %parallel_loop3A_554 = arith.constant 256 : i32
      %parallel_loop3A_555 = arith.constant 1 : i32
      scf.for %parallel_loop3A_661 = %parallel_loop3A_553 to %parallel_loop3A_554 step %parallel_loop3A_555  : i32 {
        %parallel_loop3A_662 = arith.constant 128 : i32
        %parallel_loop3A_663 = arith.divsi %parallel_loop3A_661, %parallel_loop3A_662 : i32
        %parallel_loop3A_664 = arith.constant 1024 : i32
        %parallel_loop3A_665 = arith.muli %parallel_loop3A_663, %parallel_loop3A_664 : i32
        %parallel_loop3A_666 = arith.constant 128 : i32
        %parallel_loop3A_667 = arith.remsi %parallel_loop3A_661, %parallel_loop3A_666 : i32
        %parallel_loop3A_668 = arith.addi %parallel_loop3A_665, %parallel_loop3A_667 : i32
        %parallel_loop3A_669 = arith.index_cast %parallel_loop3A_661 : i32 to index
        %parallel_loop3A_670 = arith.constant 0 : index
        %parallel_loop3A_671 = tpu.vector_load %arg8[%parallel_loop3A_669, %parallel_loop3A_670] {strides = array<i32>} : memref<256x64xf32, #tpu.memory_space<vmem>>, vector<16xf32>,
        %parallel_loop3A_672 = vector.broadcast %parallel_loop3A_668 : i32 to vector<16xi32>
        %parallel_loop3A_673 = arith.addi %add3A_16, %parallel_loop3A_672 : vector<16xi32>
        tpu.vector_store_idx %arg11[%parallel_loop3A_673], %parallel_loop3A_671 : memref<16384xf32, #tpu.memory_space<vmem>>[vector<16xi32>], vector<16xf32>,
        %parallel_loop3A_674 = arith.index_cast %parallel_loop3A_661 : i32 to index
        %parallel_loop3A_675 = arith.constant 16 : index
        %parallel_loop3A_676 = tpu.vector_load %arg8[%parallel_loop3A_674, %parallel_loop3A_675] {strides = array<i32>} : memref<256x64xf32, #tpu.memory_space<vmem>>, vector<16xf32>,
        %parallel_loop3A_677 = vector.broadcast %parallel_loop3A_668 : i32 to vector<16xi32>
        %parallel_loop3A_678 = arith.addi %add3A_32, %parallel_loop3A_677 : vector<16xi32>
        tpu.vector_store_idx %arg11[%parallel_loop3A_678], %parallel_loop3A_676 : memref<16384xf32, #tpu.memory_space<vmem>>[vector<16xi32>], vector<16xf32>,
        %parallel_loop3A_679 = arith.index_cast %parallel_loop3A_661 : i32 to index
        %parallel_loop3A_680 = arith.constant 32 : index
        %parallel_loop3A_681 = tpu.vector_load %arg8[%parallel_loop3A_679, %parallel_loop3A_680] {strides = array<i32>} : memref<256x64xf32, #tpu.memory_space<vmem>>, vector<16xf32>,
        %parallel_loop3A_682 = vector.broadcast %parallel_loop3A_668 : i32 to vector<16xi32>
        %parallel_loop3A_683 = arith.addi %add3A_48, %parallel_loop3A_682 : vector<16xi32>
        tpu.vector_store_idx %arg11[%parallel_loop3A_683], %parallel_loop3A_681 : memref<16384xf32, #tpu.memory_space<vmem>>[vector<16xi32>], vector<16xf32>,
        %parallel_loop3A_684 = arith.index_cast %parallel_loop3A_661 : i32 to index
        %parallel_loop3A_685 = arith.constant 48 : index
        %parallel_loop3A_686 = tpu.vector_load %arg8[%parallel_loop3A_684, %parallel_loop3A_685] {strides = array<i32>} : memref<256x64xf32, #tpu.memory_space<vmem>>, vector<16xf32>,
        %parallel_loop3A_687 = vector.broadcast %parallel_loop3A_668 : i32 to vector<16xi32>
        %parallel_loop3A_688 = arith.addi %add3A_64, %parallel_loop3A_687 : vector<16xi32>
        tpu.vector_store_idx %arg11[%parallel_loop3A_688], %parallel_loop3A_686 : memref<16384xf32, #tpu.memory_space<vmem>>[vector<16xi32>], vector<16xf32>,
      } {sc.loop_unroll_factor = 8 : i64, sc.parallel_access}
      %div3A_556 = arith.constant 16 : i32
      %div3A_557 = arith.divsi %add3A_531, %div3A_556 : i32
      %rem3A_558 = arith.constant 16 : i32
      %rem3A_559 = arith.remsi %add3A_531, %rem3A_558 : i32
      %mul3A_560 = arith.constant 262144 : i32
      %mul3A_561 = arith.muli %div3A_557, %mul3A_560 : i32
      %mul3A_562 = arith.constant 2048 : i32
      %mul3A_563 = arith.muli %rem3A_559, %mul3A_562 : i32
      %add3A_564 = arith.addi %mul3A_561, %mul3A_563 : i32
      %add3A_565 = arith.constant 0 : i32
      %add3A_566 = arith.addi %add3A_564, %add3A_565 : i32
      %multiple_of3A_567 = tpu.assume_multiple %add3A_566, 2048 : i32
      %dma_start3A_568 = arith.constant 2 : i32
      %dma_start3A_569 = arith.constant 0 : i32
      %dma_start3A_570 = tpu.memref_slice %arg11[%dma_start3A_569] : memref<16384xf32, #tpu.memory_space<vmem>> -> memref<2048xf32, #tpu.memory_space<vmem>>
      %dma_start3A_571 = tpu.memref_slice %arg4[%multiple_of3A_567] : memref<52428800xf32, #tpu.memory_space<hbm>> -> memref<2048xf32, #tpu.memory_space<hbm>>
      %dma_start3A_572 = tpu.memref_slice %arg13[%dma_start3A_568] : memref<3x!tpu.dma_semaphore, #tpu.memory_space<semaphore_mem>> -> memref<1x!tpu.dma_semaphore, #tpu.memory_space<semaphore_mem>>
      %dma_start3A_573 = tpu.memref_squeeze %dma_start3A_572 : memref<1x!tpu.dma_semaphore, #tpu.memory_space<semaphore_mem>> -> memref<!tpu.dma_semaphore, #tpu.memory_space<semaphore_mem>>
      %dma_start3A_574 = tpu.memref_slice %arg4[%multiple_of3A_567] : memref<52428800xf32, #tpu.memory_space<hbm>> -> memref<2048xf32, #tpu.memory_space<hbm>>
      %dma_start3A_575 = arith.constant 0 : i32
      %dma_start3A_576 = tpu.memref_slice %arg11[%dma_start3A_575] : memref<16384xf32, #tpu.memory_space<vmem>> -> memref<2048xf32, #tpu.memory_space<vmem>>
      tpu.enqueue_dma source(%dma_start3A_576 : memref<2048xf32, #tpu.memory_space<vmem>>) target(%dma_start3A_574 : memref<2048xf32, #tpu.memory_space<hbm>>) target_semaphore(%dma_start3A_573 : memref<!tpu.dma_semaphore, #tpu.memory_space<semaphore_mem>>)
      %add3A_577 = arith.constant 32768 : i32
      %add3A_578 = arith.addi %add3A_564, %add3A_577 : i32
      %multiple_of3A_579 = tpu.assume_multiple %add3A_578, 2048 : i32
      %dma_start3A_580 = arith.constant 2 : i32
      %dma_start3A_581 = arith.constant 2048 : i32
      %dma_start3A_582 = tpu.memref_slice %arg11[%dma_start3A_581] : memref<16384xf32, #tpu.memory_space<vmem>> -> memref<2048xf32, #tpu.memory_space<vmem>>
      %dma_start3A_583 = tpu.memref_slice %arg4[%multiple_of3A_579] : memref<52428800xf32, #tpu.memory_space<hbm>> -> memref<2048xf32, #tpu.memory_space<hbm>>
      %dma_start3A_584 = tpu.memref_slice %arg13[%dma_start3A_580] : memref<3x!tpu.dma_semaphore, #tpu.memory_space<semaphore_mem>> -> memref<1x!tpu.dma_semaphore, #tpu.memory_space<semaphore_mem>>
      %dma_start3A_585 = tpu.memref_squeeze %dma_start3A_584 : memref<1x!tpu.dma_semaphore, #tpu.memory_space<semaphore_mem>> -> memref<!tpu.dma_semaphore, #tpu.memory_space<semaphore_mem>>
      %dma_start3A_586 = tpu.memref_slice %arg4[%multiple_of3A_579] : memref<52428800xf32, #tpu.memory_space<hbm>> -> memref<2048xf32, #tpu.memory_space<hbm>>
      %dma_start3A_587 = arith.constant 2048 : i32
      %dma_start3A_588 = tpu.memref_slice %arg11[%dma_start3A_587] : memref<16384xf32, #tpu.memory_space<vmem>> -> memref<2048xf32, #tpu.memory_space<vmem>>
      tpu.enqueue_dma source(%dma_start3A_588 : memref<2048xf32, #tpu.memory_space<vmem>>) target(%dma_start3A_586 : memref<2048xf32, #tpu.memory_space<hbm>>) target_semaphore(%dma_start3A_585 : memref<!tpu.dma_semaphore, #tpu.memory_space<semaphore_mem>>)
      %add3A_589 = arith.constant 65536 : i32
      %add3A_590 = arith.addi %add3A_564, %add3A_589 : i32
      %multiple_of3A_591 = tpu.assume_multiple %add3A_590, 2048 : i32
      %dma_start3A_592 = arith.constant 2 : i32
      %dma_start3A_593 = arith.constant 4096 : i32
      %dma_start3A_594 = tpu.memref_slice %arg11[%dma_start3A_593] : memref<16384xf32, #tpu.memory_space<vmem>> -> memref<2048xf32, #tpu.memory_space<vmem>>
      %dma_start3A_595 = tpu.memref_slice %arg4[%multiple_of3A_591] : memref<52428800xf32, #tpu.memory_space<hbm>> -> memref<2048xf32, #tpu.memory_space<hbm>>
      %dma_start3A_596 = tpu.memref_slice %arg13[%dma_start3A_592] : memref<3x!tpu.dma_semaphore, #tpu.memory_space<semaphore_mem>> -> memref<1x!tpu.dma_semaphore, #tpu.memory_space<semaphore_mem>>
      %dma_start3A_597 = tpu.memref_squeeze %dma_start3A_596 : memref<1x!tpu.dma_semaphore, #tpu.memory_space<semaphore_mem>> -> memref<!tpu.dma_semaphore, #tpu.memory_space<semaphore_mem>>
      %dma_start3A_598 = tpu.memref_slice %arg4[%multiple_of3A_591] : memref<52428800xf32, #tpu.memory_space<hbm>> -> memref<2048xf32, #tpu.memory_space<hbm>>
      %dma_start3A_599 = arith.constant 4096 : i32
      %dma_start3A_600 = tpu.memref_slice %arg11[%dma_start3A_599] : memref<16384xf32, #tpu.memory_space<vmem>> -> memref<2048xf32, #tpu.memory_space<vmem>>
      tpu.enqueue_dma source(%dma_start3A_600 : memref<2048xf32, #tpu.memory_space<vmem>>) target(%dma_start3A_598 : memref<2048xf32, #tpu.memory_space<hbm>>) target_semaphore(%dma_start3A_597 : memref<!tpu.dma_semaphore, #tpu.memory_space<semaphore_mem>>)
      %add3A_601 = arith.constant 98304 : i32
      %add3A_602 = arith.addi %add3A_564, %add3A_601 : i32
      %multiple_of3A_603 = tpu.assume_multiple %add3A_602, 2048 : i32
      %dma_start3A_604 = arith.constant 2 : i32
      %dma_start3A_605 = arith.constant 6144 : i32
      %dma_start3A_606 = tpu.memref_slice %arg11[%dma_start3A_605] : memref<16384xf32, #tpu.memory_space<vmem>> -> memref<2048xf32, #tpu.memory_space<vmem>>
      %dma_start3A_607 = tpu.memref_slice %arg4[%multiple_of3A_603] : memref<52428800xf32, #tpu.memory_space<hbm>> -> memref<2048xf32, #tpu.memory_space<hbm>>
      %dma_start3A_608 = tpu.memref_slice %arg13[%dma_start3A_604] : memref<3x!tpu.dma_semaphore, #tpu.memory_space<semaphore_mem>> -> memref<1x!tpu.dma_semaphore, #tpu.memory_space<semaphore_mem>>
      %dma_start3A_609 = tpu.memref_squeeze %dma_start3A_608 : memref<1x!tpu.dma_semaphore, #tpu.memory_space<semaphore_mem>> -> memref<!tpu.dma_semaphore, #tpu.memory_space<semaphore_mem>>
      %dma_start3A_610 = tpu.memref_slice %arg4[%multiple_of3A_603] : memref<52428800xf32, #tpu.memory_space<hbm>> -> memref<2048xf32, #tpu.memory_space<hbm>>
      %dma_start3A_611 = arith.constant 6144 : i32
      %dma_start3A_612 = tpu.memref_slice %arg11[%dma_start3A_611] : memref<16384xf32, #tpu.memory_space<vmem>> -> memref<2048xf32, #tpu.memory_space<vmem>>
      tpu.enqueue_dma source(%dma_start3A_612 : memref<2048xf32, #tpu.memory_space<vmem>>) target(%dma_start3A_610 : memref<2048xf32, #tpu.memory_space<hbm>>) target_semaphore(%dma_start3A_609 : memref<!tpu.dma_semaphore, #tpu.memory_space<semaphore_mem>>)
      %add3A_613 = arith.constant 131072 : i32
      %add3A_614 = arith.addi %add3A_564, %add3A_613 : i32
      %multiple_of3A_615 = tpu.assume_multiple %add3A_614, 2048 : i32
      %dma_start3A_616 = arith.constant 2 : i32
      %dma_start3A_617 = arith.constant 8192 : i32
      %dma_start3A_618 = tpu.memref_slice %arg11[%dma_start3A_617] : memref<16384xf32, #tpu.memory_space<vmem>> -> memref<2048xf32, #tpu.memory_space<vmem>>
      %dma_start3A_619 = tpu.memref_slice %arg4[%multiple_of3A_615] : memref<52428800xf32, #tpu.memory_space<hbm>> -> memref<2048xf32, #tpu.memory_space<hbm>>
      %dma_start3A_620 = tpu.memref_slice %arg13[%dma_start3A_616] : memref<3x!tpu.dma_semaphore, #tpu.memory_space<semaphore_mem>> -> memref<1x!tpu.dma_semaphore, #tpu.memory_space<semaphore_mem>>
      %dma_start3A_621 = tpu.memref_squeeze %dma_start3A_620 : memref<1x!tpu.dma_semaphore, #tpu.memory_space<semaphore_mem>> -> memref<!tpu.dma_semaphore, #tpu.memory_space<semaphore_mem>>
      %dma_start3A_622 = tpu.memref_slice %arg4[%multiple_of3A_615] : memref<52428800xf32, #tpu.memory_space<hbm>> -> memref<2048xf32, #tpu.memory_space<hbm>>
      %dma_start3A_623 = arith.constant 8192 : i32
      %dma_start3A_624 = tpu.memref_slice %arg11[%dma_start3A_623] : memref<16384xf32, #tpu.memory_space<vmem>> -> memref<2048xf32, #tpu.memory_space<vmem>>
      tpu.enqueue_dma source(%dma_start3A_624 : memref<2048xf32, #tpu.memory_space<vmem>>) target(%dma_start3A_622 : memref<2048xf32, #tpu.memory_space<hbm>>) target_semaphore(%dma_start3A_621 : memref<!tpu.dma_semaphore, #tpu.memory_space<semaphore_mem>>)
      %add3A_625 = arith.constant 163840 : i32
      %add3A_626 = arith.addi %add3A_564, %add3A_625 : i32
      %multiple_of3A_627 = tpu.assume_multiple %add3A_626, 2048 : i32
      %dma_start3A_628 = arith.constant 2 : i32
      %dma_start3A_629 = arith.constant 10240 : i32
      %dma_start3A_630 = tpu.memref_slice %arg11[%dma_start3A_629] : memref<16384xf32, #tpu.memory_space<vmem>> -> memref<2048xf32, #tpu.memory_space<vmem>>
      %dma_start3A_631 = tpu.memref_slice %arg4[%multiple_of3A_627] : memref<52428800xf32, #tpu.memory_space<hbm>> -> memref<2048xf32, #tpu.memory_space<hbm>>
      %dma_start3A_632 = tpu.memref_slice %arg13[%dma_start3A_628] : memref<3x!tpu.dma_semaphore, #tpu.memory_space<semaphore_mem>> -> memref<1x!tpu.dma_semaphore, #tpu.memory_space<semaphore_mem>>
      %dma_start3A_633 = tpu.memref_squeeze %dma_start3A_632 : memref<1x!tpu.dma_semaphore, #tpu.memory_space<semaphore_mem>> -> memref<!tpu.dma_semaphore, #tpu.memory_space<semaphore_mem>>
      %dma_start3A_634 = tpu.memref_slice %arg4[%multiple_of3A_627] : memref<52428800xf32, #tpu.memory_space<hbm>> -> memref<2048xf32, #tpu.memory_space<hbm>>
      %dma_start3A_635 = arith.constant 10240 : i32
      %dma_start3A_636 = tpu.memref_slice %arg11[%dma_start3A_635] : memref<16384xf32, #tpu.memory_space<vmem>> -> memref<2048xf32, #tpu.memory_space<vmem>>
      tpu.enqueue_dma source(%dma_start3A_636 : memref<2048xf32, #tpu.memory_space<vmem>>) target(%dma_start3A_634 : memref<2048xf32, #tpu.memory_space<hbm>>) target_semaphore(%dma_start3A_633 : memref<!tpu.dma_semaphore, #tpu.memory_space<semaphore_mem>>)
      %add3A_637 = arith.constant 196608 : i32
      %add3A_638 = arith.addi %add3A_564, %add3A_637 : i32
      %multiple_of3A_639 = tpu.assume_multiple %add3A_638, 2048 : i32
      %dma_start3A_640 = arith.constant 2 : i32
      %dma_start3A_641 = arith.constant 12288 : i32
      %dma_start3A_642 = tpu.memref_slice %arg11[%dma_start3A_641] : memref<16384xf32, #tpu.memory_space<vmem>> -> memref<2048xf32, #tpu.memory_space<vmem>>
      %dma_start3A_643 = tpu.memref_slice %arg4[%multiple_of3A_639] : memref<52428800xf32, #tpu.memory_space<hbm>> -> memref<2048xf32, #tpu.memory_space<hbm>>
      %dma_start3A_644 = tpu.memref_slice %arg13[%dma_start3A_640] : memref<3x!tpu.dma_semaphore, #tpu.memory_space<semaphore_mem>> -> memref<1x!tpu.dma_semaphore, #tpu.memory_space<semaphore_mem>>
      %dma_start3A_645 = tpu.memref_squeeze %dma_start3A_644 : memref<1x!tpu.dma_semaphore, #tpu.memory_space<semaphore_mem>> -> memref<!tpu.dma_semaphore, #tpu.memory_space<semaphore_mem>>
      %dma_start3A_646 = tpu.memref_slice %arg4[%multiple_of3A_639] : memref<52428800xf32, #tpu.memory_space<hbm>> -> memref<2048xf32, #tpu.memory_space<hbm>>
      %dma_start3A_647 = arith.constant 12288 : i32
      %dma_start3A_648 = tpu.memref_slice %arg11[%dma_start3A_647] : memref<16384xf32, #tpu.memory_space<vmem>> -> memref<2048xf32, #tpu.memory_space<vmem>>
      tpu.enqueue_dma source(%dma_start3A_648 : memref<2048xf32, #tpu.memory_space<vmem>>) target(%dma_start3A_646 : memref<2048xf32, #tpu.memory_space<hbm>>) target_semaphore(%dma_start3A_645 : memref<!tpu.dma_semaphore, #tpu.memory_space<semaphore_mem>>)
      %add3A_649 = arith.constant 229376 : i32
      %add3A_650 = arith.addi %add3A_564, %add3A_649 : i32
      %multiple_of3A_651 = tpu.assume_multiple %add3A_650, 2048 : i32
      %dma_start3A_652 = arith.constant 2 : i32
      %dma_start3A_653 = arith.constant 14336 : i32
      %dma_start3A_654 = tpu.memref_slice %arg11[%dma_start3A_653] : memref<16384xf32, #tpu.memory_space<vmem>> -> memref<2048xf32, #tpu.memory_space<vmem>>
      %dma_start3A_655 = tpu.memref_slice %arg4[%multiple_of3A_651] : memref<52428800xf32, #tpu.memory_space<hbm>> -> memref<2048xf32, #tpu.memory_space<hbm>>
      %dma_start3A_656 = tpu.memref_slice %arg13[%dma_start3A_652] : memref<3x!tpu.dma_semaphore, #tpu.memory_space<semaphore_mem>> -> memref<1x!tpu.dma_semaphore, #tpu.memory_space<semaphore_mem>>
      %dma_start3A_657 = tpu.memref_squeeze %dma_start3A_656 : memref<1x!tpu.dma_semaphore, #tpu.memory_space<semaphore_mem>> -> memref<!tpu.dma_semaphore, #tpu.memory_space<semaphore_mem>>
      %dma_start3A_658 = tpu.memref_slice %arg4[%multiple_of3A_651] : memref<52428800xf32, #tpu.memory_space<hbm>> -> memref<2048xf32, #tpu.memory_space<hbm>>
      %dma_start3A_659 = arith.constant 14336 : i32
      %dma_start3A_660 = tpu.memref_slice %arg11[%dma_start3A_659] : memref<16384xf32, #tpu.memory_space<vmem>> -> memref<2048xf32, #tpu.memory_space<vmem>>
      tpu.enqueue_dma source(%dma_start3A_660 : memref<2048xf32, #tpu.memory_space<vmem>>) target(%dma_start3A_658 : memref<2048xf32, #tpu.memory_space<hbm>>) target_semaphore(%dma_start3A_657 : memref<!tpu.dma_semaphore, #tpu.memory_space<semaphore_mem>>)
    }
    %scan3A_118 = arith.constant 33 : i32
    %add3A_119 = arith.constant 99 : i32
    %add3A_120 = arith.addi %mul3A_2, %add3A_119 : i32
    %dma_wait3A = arith.constant 0 : i32
    %dma_wait3A_121 = arith.constant 0 : i32
    %dma_wait3A_122 = arith.constant 0 : i32
    %dma_wait3A_123 = tpu.memref_slice %arg2[%dma_wait3A_121, %dma_wait3A_122] : memref<1000000x64xf32, #tpu.memory_space<hbm>> -> memref<256x64xf32, #tpu.memory_space<hbm>>
    %dma_wait3A_124 = tpu.memref_slice %arg12[%dma_wait3A] : memref<3x!tpu.dma_semaphore, #tpu.memory_space<semaphore_mem>> -> memref<1x!tpu.dma_semaphore, #tpu.memory_space<semaphore_mem>>
    %dma_wait3A_125 = tpu.memref_squeeze %dma_wait3A_124 : memref<1x!tpu.dma_semaphore, #tpu.memory_space<semaphore_mem>> -> memref<!tpu.dma_semaphore, #tpu.memory_space<semaphore_mem>>
    %dma_wait3A_126 = arith.constant 0 : i32
    %dma_wait3A_127 = arith.constant 0 : i32
    %dma_wait3A_128 = tpu.memref_slice %arg2[%dma_wait3A_126, %dma_wait3A_127] : memref<1000000x64xf32, #tpu.memory_space<hbm>> -> memref<256x64xf32, #tpu.memory_space<hbm>>
    tpu.wait_dma2 semaphore(%dma_wait3A_125 : memref<!tpu.dma_semaphore, #tpu.memory_space<semaphore_mem>>) src(%dma_wait3A_128 : memref<256x64xf32, #tpu.memory_space<hbm>>) dst(%arg6 : memref<256x64xf32, #tpu.memory_space<vmem>>)
    %dma_wait3A_129 = arith.constant 0 : i32
    %dma_wait3A_130 = arith.constant 0 : i32
    %dma_wait3A_131 = tpu.memref_slice %arg4[%dma_wait3A_130] : memref<52428800xf32, #tpu.memory_space<hbm>> -> memref<16384xf32, #tpu.memory_space<hbm>>
    %dma_wait3A_132 = tpu.memref_slice %arg13[%dma_wait3A_129] : memref<3x!tpu.dma_semaphore, #tpu.memory_space<semaphore_mem>> -> memref<1x!tpu.dma_semaphore, #tpu.memory_space<semaphore_mem>>
    %dma_wait3A_133 = tpu.memref_squeeze %dma_wait3A_132 : memref<1x!tpu.dma_semaphore, #tpu.memory_space<semaphore_mem>> -> memref<!tpu.dma_semaphore, #tpu.memory_space<semaphore_mem>>
    %dma_wait3A_134 = arith.constant 0 : i32
    %dma_wait3A_135 = tpu.memref_slice %arg4[%dma_wait3A_134] : memref<52428800xf32, #tpu.memory_space<hbm>> -> memref<16384xf32, #tpu.memory_space<hbm>>
    tpu.wait_dma2 semaphore(%dma_wait3A_133 : memref<!tpu.dma_semaphore, #tpu.memory_space<semaphore_mem>>) src(%dma_wait3A_135 : memref<16384xf32, #tpu.memory_space<hbm>>) dst(%arg9 : memref<16384xf32, #tpu.memory_space<vmem>>)
    %parallel_loop3A = arith.constant 0 : i32
    %parallel_loop3A_136 = arith.constant 256 : i32
    %parallel_loop3A_137 = arith.constant 1 : i32
    scf.for %parallel_loop3A_262 = %parallel_loop3A to %parallel_loop3A_136 step %parallel_loop3A_137  : i32 {
      %parallel_loop3A_263 = arith.constant 128 : i32
      %parallel_loop3A_264 = arith.divsi %parallel_loop3A_262, %parallel_loop3A_263 : i32
      %parallel_loop3A_265 = arith.constant 1024 : i32
      %parallel_loop3A_266 = arith.muli %parallel_loop3A_264, %parallel_loop3A_265 : i32
      %parallel_loop3A_267 = arith.constant 128 : i32
      %parallel_loop3A_268 = arith.remsi %parallel_loop3A_262, %parallel_loop3A_267 : i32
      %parallel_loop3A_269 = arith.addi %parallel_loop3A_266, %parallel_loop3A_268 : i32
      %parallel_loop3A_270 = arith.index_cast %parallel_loop3A_262 : i32 to index
      %parallel_loop3A_271 = arith.constant 0 : index
      %parallel_loop3A_272 = tpu.vector_load %arg6[%parallel_loop3A_270, %parallel_loop3A_271] {strides = array<i32>} : memref<256x64xf32, #tpu.memory_space<vmem>>, vector<16xf32>,
      %parallel_loop3A_273 = vector.broadcast %parallel_loop3A_269 : i32 to vector<16xi32>
      %parallel_loop3A_274 = arith.addi %add3A_16, %parallel_loop3A_273 : vector<16xi32>
      tpu.vector_store_idx %arg9[%parallel_loop3A_274], %parallel_loop3A_272 : memref<16384xf32, #tpu.memory_space<vmem>>[vector<16xi32>], vector<16xf32>,
      %parallel_loop3A_275 = arith.index_cast %parallel_loop3A_262 : i32 to index
      %parallel_loop3A_276 = arith.constant 16 : index
      %parallel_loop3A_277 = tpu.vector_load %arg6[%parallel_loop3A_275, %parallel_loop3A_276] {strides = array<i32>} : memref<256x64xf32, #tpu.memory_space<vmem>>, vector<16xf32>,
      %parallel_loop3A_278 = vector.broadcast %parallel_loop3A_269 : i32 to vector<16xi32>
      %parallel_loop3A_279 = arith.addi %add3A_32, %parallel_loop3A_278 : vector<16xi32>
      tpu.vector_store_idx %arg9[%parallel_loop3A_279], %parallel_loop3A_277 : memref<16384xf32, #tpu.memory_space<vmem>>[vector<16xi32>], vector<16xf32>,
      %parallel_loop3A_280 = arith.index_cast %parallel_loop3A_262 : i32 to index
      %parallel_loop3A_281 = arith.constant 32 : index
      %parallel_loop3A_282 = tpu.vector_load %arg6[%parallel_loop3A_280, %parallel_loop3A_281] {strides = array<i32>} : memref<256x64xf32, #tpu.memory_space<vmem>>, vector<16xf32>,
      %parallel_loop3A_283 = vector.broadcast %parallel_loop3A_269 : i32 to vector<16xi32>
      %parallel_loop3A_284 = arith.addi %add3A_48, %parallel_loop3A_283 : vector<16xi32>
      tpu.vector_store_idx %arg9[%parallel_loop3A_284], %parallel_loop3A_282 : memref<16384xf32, #tpu.memory_space<vmem>>[vector<16xi32>], vector<16xf32>,
      %parallel_loop3A_285 = arith.index_cast %parallel_loop3A_262 : i32 to index
      %parallel_loop3A_286 = arith.constant 48 : index
      %parallel_loop3A_287 = tpu.vector_load %arg6[%parallel_loop3A_285, %parallel_loop3A_286] {strides = array<i32>} : memref<256x64xf32, #tpu.memory_space<vmem>>, vector<16xf32>,
      %parallel_loop3A_288 = vector.broadcast %parallel_loop3A_269 : i32 to vector<16xi32>
      %parallel_loop3A_289 = arith.addi %add3A_64, %parallel_loop3A_288 : vector<16xi32>
      tpu.vector_store_idx %arg9[%parallel_loop3A_289], %parallel_loop3A_287 : memref<16384xf32, #tpu.memory_space<vmem>>[vector<16xi32>], vector<16xf32>,
    } {sc.loop_unroll_factor = 8 : i64, sc.parallel_access}
    %div3A = arith.constant 16 : i32
    %div3A_138 = arith.divsi %add3A_120, %div3A : i32
    %rem3A = arith.constant 16 : i32
    %rem3A_139 = arith.remsi %add3A_120, %rem3A : i32
    %mul3A_140 = arith.constant 262144 : i32
    %mul3A_141 = arith.muli %div3A_138, %mul3A_140 : i32
    %mul3A_142 = arith.constant 2048 : i32
    %mul3A_143 = arith.muli %rem3A_139, %mul3A_142 : i32
    %add3A_144 = arith.addi %mul3A_141, %mul3A_143 : i32
    %add3A_145 = arith.constant 0 : i32
    %add3A_146 = arith.addi %add3A_144, %add3A_145 : i32
    %multiple_of3A_147 = tpu.assume_multiple %add3A_146, 2048 : i32
    %dma_start3A_148 = arith.constant 0 : i32
    %dma_start3A_149 = arith.constant 0 : i32
    %dma_start3A_150 = tpu.memref_slice %arg9[%dma_start3A_149] : memref<16384xf32, #tpu.memory_space<vmem>> -> memref<2048xf32, #tpu.memory_space<vmem>>
    %dma_start3A_151 = tpu.memref_slice %arg4[%multiple_of3A_147] : memref<52428800xf32, #tpu.memory_space<hbm>> -> memref<2048xf32, #tpu.memory_space<hbm>>
    %dma_start3A_152 = tpu.memref_slice %arg13[%dma_start3A_148] : memref<3x!tpu.dma_semaphore, #tpu.memory_space<semaphore_mem>> -> memref<1x!tpu.dma_semaphore, #tpu.memory_space<semaphore_mem>>
    %dma_start3A_153 = tpu.memref_squeeze %dma_start3A_152 : memref<1x!tpu.dma_semaphore, #tpu.memory_space<semaphore_mem>> -> memref<!tpu.dma_semaphore, #tpu.memory_space<semaphore_mem>>
    %dma_start3A_154 = tpu.memref_slice %arg4[%multiple_of3A_147] : memref<52428800xf32, #tpu.memory_space<hbm>> -> memref<2048xf32, #tpu.memory_space<hbm>>
    %dma_start3A_155 = arith.constant 0 : i32
    %dma_start3A_156 = tpu.memref_slice %arg9[%dma_start3A_155] : memref<16384xf32, #tpu.memory_space<vmem>> -> memref<2048xf32, #tpu.memory_space<vmem>>
    tpu.enqueue_dma source(%dma_start3A_156 : memref<2048xf32, #tpu.memory_space<vmem>>) target(%dma_start3A_154 : memref<2048xf32, #tpu.memory_space<hbm>>) target_semaphore(%dma_start3A_153 : memref<!tpu.dma_semaphore, #tpu.memory_space<semaphore_mem>>)
    %add3A_157 = arith.constant 32768 : i32
    %add3A_158 = arith.addi %add3A_144, %add3A_157 : i32
    %multiple_of3A_159 = tpu.assume_multiple %add3A_158, 2048 : i32
    %dma_start3A_160 = arith.constant 0 : i32
    %dma_start3A_161 = arith.constant 2048 : i32
    %dma_start3A_162 = tpu.memref_slice %arg9[%dma_start3A_161] : memref<16384xf32, #tpu.memory_space<vmem>> -> memref<2048xf32, #tpu.memory_space<vmem>>
    %dma_start3A_163 = tpu.memref_slice %arg4[%multiple_of3A_159] : memref<52428800xf32, #tpu.memory_space<hbm>> -> memref<2048xf32, #tpu.memory_space<hbm>>
    %dma_start3A_164 = tpu.memref_slice %arg13[%dma_start3A_160] : memref<3x!tpu.dma_semaphore, #tpu.memory_space<semaphore_mem>> -> memref<1x!tpu.dma_semaphore, #tpu.memory_space<semaphore_mem>>
    %dma_start3A_165 = tpu.memref_squeeze %dma_start3A_164 : memref<1x!tpu.dma_semaphore, #tpu.memory_space<semaphore_mem>> -> memref<!tpu.dma_semaphore, #tpu.memory_space<semaphore_mem>>
    %dma_start3A_166 = tpu.memref_slice %arg4[%multiple_of3A_159] : memref<52428800xf32, #tpu.memory_space<hbm>> -> memref<2048xf32, #tpu.memory_space<hbm>>
    %dma_start3A_167 = arith.constant 2048 : i32
    %dma_start3A_168 = tpu.memref_slice %arg9[%dma_start3A_167] : memref<16384xf32, #tpu.memory_space<vmem>> -> memref<2048xf32, #tpu.memory_space<vmem>>
    tpu.enqueue_dma source(%dma_start3A_168 : memref<2048xf32, #tpu.memory_space<vmem>>) target(%dma_start3A_166 : memref<2048xf32, #tpu.memory_space<hbm>>) target_semaphore(%dma_start3A_165 : memref<!tpu.dma_semaphore, #tpu.memory_space<semaphore_mem>>)
    %add3A_169 = arith.constant 65536 : i32
    %add3A_170 = arith.addi %add3A_144, %add3A_169 : i32
    %multiple_of3A_171 = tpu.assume_multiple %add3A_170, 2048 : i32
    %dma_start3A_172 = arith.constant 0 : i32
    %dma_start3A_173 = arith.constant 4096 : i32
    %dma_start3A_174 = tpu.memref_slice %arg9[%dma_start3A_173] : memref<16384xf32, #tpu.memory_space<vmem>> -> memref<2048xf32, #tpu.memory_space<vmem>>
    %dma_start3A_175 = tpu.memref_slice %arg4[%multiple_of3A_171] : memref<52428800xf32, #tpu.memory_space<hbm>> -> memref<2048xf32, #tpu.memory_space<hbm>>
    %dma_start3A_176 = tpu.memref_slice %arg13[%dma_start3A_172] : memref<3x!tpu.dma_semaphore, #tpu.memory_space<semaphore_mem>> -> memref<1x!tpu.dma_semaphore, #tpu.memory_space<semaphore_mem>>
    %dma_start3A_177 = tpu.memref_squeeze %dma_start3A_176 : memref<1x!tpu.dma_semaphore, #tpu.memory_space<semaphore_mem>> -> memref<!tpu.dma_semaphore, #tpu.memory_space<semaphore_mem>>
    %dma_start3A_178 = tpu.memref_slice %arg4[%multiple_of3A_171] : memref<52428800xf32, #tpu.memory_space<hbm>> -> memref<2048xf32, #tpu.memory_space<hbm>>
    %dma_start3A_179 = arith.constant 4096 : i32
    %dma_start3A_180 = tpu.memref_slice %arg9[%dma_start3A_179] : memref<16384xf32, #tpu.memory_space<vmem>> -> memref<2048xf32, #tpu.memory_space<vmem>>
    tpu.enqueue_dma source(%dma_start3A_180 : memref<2048xf32, #tpu.memory_space<vmem>>) target(%dma_start3A_178 : memref<2048xf32, #tpu.memory_space<hbm>>) target_semaphore(%dma_start3A_177 : memref<!tpu.dma_semaphore, #tpu.memory_space<semaphore_mem>>)
    %add3A_181 = arith.constant 98304 : i32
    %add3A_182 = arith.addi %add3A_144, %add3A_181 : i32
    %multiple_of3A_183 = tpu.assume_multiple %add3A_182, 2048 : i32
    %dma_start3A_184 = arith.constant 0 : i32
    %dma_start3A_185 = arith.constant 6144 : i32
    %dma_start3A_186 = tpu.memref_slice %arg9[%dma_start3A_185] : memref<16384xf32, #tpu.memory_space<vmem>> -> memref<2048xf32, #tpu.memory_space<vmem>>
    %dma_start3A_187 = tpu.memref_slice %arg4[%multiple_of3A_183] : memref<52428800xf32, #tpu.memory_space<hbm>> -> memref<2048xf32, #tpu.memory_space<hbm>>
    %dma_start3A_188 = tpu.memref_slice %arg13[%dma_start3A_184] : memref<3x!tpu.dma_semaphore, #tpu.memory_space<semaphore_mem>> -> memref<1x!tpu.dma_semaphore, #tpu.memory_space<semaphore_mem>>
    %dma_start3A_189 = tpu.memref_squeeze %dma_start3A_188 : memref<1x!tpu.dma_semaphore, #tpu.memory_space<semaphore_mem>> -> memref<!tpu.dma_semaphore, #tpu.memory_space<semaphore_mem>>
    %dma_start3A_190 = tpu.memref_slice %arg4[%multiple_of3A_183] : memref<52428800xf32, #tpu.memory_space<hbm>> -> memref<2048xf32, #tpu.memory_space<hbm>>
    %dma_start3A_191 = arith.constant 6144 : i32
    %dma_start3A_192 = tpu.memref_slice %arg9[%dma_start3A_191] : memref<16384xf32, #tpu.memory_space<vmem>> -> memref<2048xf32, #tpu.memory_space<vmem>>
    tpu.enqueue_dma source(%dma_start3A_192 : memref<2048xf32, #tpu.memory_space<vmem>>) target(%dma_start3A_190 : memref<2048xf32, #tpu.memory_space<hbm>>) target_semaphore(%dma_start3A_189 : memref<!tpu.dma_semaphore, #tpu.memory_space<semaphore_mem>>)
    %add3A_193 = arith.constant 131072 : i32
    %add3A_194 = arith.addi %add3A_144, %add3A_193 : i32
    %multiple_of3A_195 = tpu.assume_multiple %add3A_194, 2048 : i32
    %dma_start3A_196 = arith.constant 0 : i32
    %dma_start3A_197 = arith.constant 8192 : i32
    %dma_start3A_198 = tpu.memref_slice %arg9[%dma_start3A_197] : memref<16384xf32, #tpu.memory_space<vmem>> -> memref<2048xf32, #tpu.memory_space<vmem>>
    %dma_start3A_199 = tpu.memref_slice %arg4[%multiple_of3A_195] : memref<52428800xf32, #tpu.memory_space<hbm>> -> memref<2048xf32, #tpu.memory_space<hbm>>
    %dma_start3A_200 = tpu.memref_slice %arg13[%dma_start3A_196] : memref<3x!tpu.dma_semaphore, #tpu.memory_space<semaphore_mem>> -> memref<1x!tpu.dma_semaphore, #tpu.memory_space<semaphore_mem>>
    %dma_start3A_201 = tpu.memref_squeeze %dma_start3A_200 : memref<1x!tpu.dma_semaphore, #tpu.memory_space<semaphore_mem>> -> memref<!tpu.dma_semaphore, #tpu.memory_space<semaphore_mem>>
    %dma_start3A_202 = tpu.memref_slice %arg4[%multiple_of3A_195] : memref<52428800xf32, #tpu.memory_space<hbm>> -> memref<2048xf32, #tpu.memory_space<hbm>>
    %dma_start3A_203 = arith.constant 8192 : i32
    %dma_start3A_204 = tpu.memref_slice %arg9[%dma_start3A_203] : memref<16384xf32, #tpu.memory_space<vmem>> -> memref<2048xf32, #tpu.memory_space<vmem>>
    tpu.enqueue_dma source(%dma_start3A_204 : memref<2048xf32, #tpu.memory_space<vmem>>) target(%dma_start3A_202 : memref<2048xf32, #tpu.memory_space<hbm>>) target_semaphore(%dma_start3A_201 : memref<!tpu.dma_semaphore, #tpu.memory_space<semaphore_mem>>)
    %add3A_205 = arith.constant 163840 : i32
    %add3A_206 = arith.addi %add3A_144, %add3A_205 : i32
    %multiple_of3A_207 = tpu.assume_multiple %add3A_206, 2048 : i32
    %dma_start3A_208 = arith.constant 0 : i32
    %dma_start3A_209 = arith.constant 10240 : i32
    %dma_start3A_210 = tpu.memref_slice %arg9[%dma_start3A_209] : memref<16384xf32, #tpu.memory_space<vmem>> -> memref<2048xf32, #tpu.memory_space<vmem>>
    %dma_start3A_211 = tpu.memref_slice %arg4[%multiple_of3A_207] : memref<52428800xf32, #tpu.memory_space<hbm>> -> memref<2048xf32, #tpu.memory_space<hbm>>
    %dma_start3A_212 = tpu.memref_slice %arg13[%dma_start3A_208] : memref<3x!tpu.dma_semaphore, #tpu.memory_space<semaphore_mem>> -> memref<1x!tpu.dma_semaphore, #tpu.memory_space<semaphore_mem>>
    %dma_start3A_213 = tpu.memref_squeeze %dma_start3A_212 : memref<1x!tpu.dma_semaphore, #tpu.memory_space<semaphore_mem>> -> memref<!tpu.dma_semaphore, #tpu.memory_space<semaphore_mem>>
    %dma_start3A_214 = tpu.memref_slice %arg4[%multiple_of3A_207] : memref<52428800xf32, #tpu.memory_space<hbm>> -> memref<2048xf32, #tpu.memory_space<hbm>>
    %dma_start3A_215 = arith.constant 10240 : i32
    %dma_start3A_216 = tpu.memref_slice %arg9[%dma_start3A_215] : memref<16384xf32, #tpu.memory_space<vmem>> -> memref<2048xf32, #tpu.memory_space<vmem>>
    tpu.enqueue_dma source(%dma_start3A_216 : memref<2048xf32, #tpu.memory_space<vmem>>) target(%dma_start3A_214 : memref<2048xf32, #tpu.memory_space<hbm>>) target_semaphore(%dma_start3A_213 : memref<!tpu.dma_semaphore, #tpu.memory_space<semaphore_mem>>)
    %add3A_217 = arith.constant 196608 : i32
    %add3A_218 = arith.addi %add3A_144, %add3A_217 : i32
    %multiple_of3A_219 = tpu.assume_multiple %add3A_218, 2048 : i32
    %dma_start3A_220 = arith.constant 0 : i32
    %dma_start3A_221 = arith.constant 12288 : i32
    %dma_start3A_222 = tpu.memref_slice %arg9[%dma_start3A_221] : memref<16384xf32, #tpu.memory_space<vmem>> -> memref<2048xf32, #tpu.memory_space<vmem>>
    %dma_start3A_223 = tpu.memref_slice %arg4[%multiple_of3A_219] : memref<52428800xf32, #tpu.memory_space<hbm>> -> memref<2048xf32, #tpu.memory_space<hbm>>
    %dma_start3A_224 = tpu.memref_slice %arg13[%dma_start3A_220] : memref<3x!tpu.dma_semaphore, #tpu.memory_space<semaphore_mem>> -> memref<1x!tpu.dma_semaphore, #tpu.memory_space<semaphore_mem>>
    %dma_start3A_225 = tpu.memref_squeeze %dma_start3A_224 : memref<1x!tpu.dma_semaphore, #tpu.memory_space<semaphore_mem>> -> memref<!tpu.dma_semaphore, #tpu.memory_space<semaphore_mem>>
    %dma_start3A_226 = tpu.memref_slice %arg4[%multiple_of3A_219] : memref<52428800xf32, #tpu.memory_space<hbm>> -> memref<2048xf32, #tpu.memory_space<hbm>>
    %dma_start3A_227 = arith.constant 12288 : i32
    %dma_start3A_228 = tpu.memref_slice %arg9[%dma_start3A_227] : memref<16384xf32, #tpu.memory_space<vmem>> -> memref<2048xf32, #tpu.memory_space<vmem>>
    tpu.enqueue_dma source(%dma_start3A_228 : memref<2048xf32, #tpu.memory_space<vmem>>) target(%dma_start3A_226 : memref<2048xf32, #tpu.memory_space<hbm>>) target_semaphore(%dma_start3A_225 : memref<!tpu.dma_semaphore, #tpu.memory_space<semaphore_mem>>)
    %add3A_229 = arith.constant 229376 : i32
    %add3A_230 = arith.addi %add3A_144, %add3A_229 : i32
    %multiple_of3A_231 = tpu.assume_multiple %add3A_230, 2048 : i32
    %dma_start3A_232 = arith.constant 0 : i32
    %dma_start3A_233 = arith.constant 14336 : i32
    %dma_start3A_234 = tpu.memref_slice %arg9[%dma_start3A_233] : memref<16384xf32, #tpu.memory_space<vmem>> -> memref<2048xf32, #tpu.memory_space<vmem>>
    %dma_start3A_235 = tpu.memref_slice %arg4[%multiple_of3A_231] : memref<52428800xf32, #tpu.memory_space<hbm>> -> memref<2048xf32, #tpu.memory_space<hbm>>
    %dma_start3A_236 = tpu.memref_slice %arg13[%dma_start3A_232] : memref<3x!tpu.dma_semaphore, #tpu.memory_space<semaphore_mem>> -> memref<1x!tpu.dma_semaphore, #tpu.memory_space<semaphore_mem>>
    %dma_start3A_237 = tpu.memref_squeeze %dma_start3A_236 : memref<1x!tpu.dma_semaphore, #tpu.memory_space<semaphore_mem>> -> memref<!tpu.dma_semaphore, #tpu.memory_space<semaphore_mem>>
    %dma_start3A_238 = tpu.memref_slice %arg4[%multiple_of3A_231] : memref<52428800xf32, #tpu.memory_space<hbm>> -> memref<2048xf32, #tpu.memory_space<hbm>>
    %dma_start3A_239 = arith.constant 14336 : i32
    %dma_start3A_240 = tpu.memref_slice %arg9[%dma_start3A_239] : memref<16384xf32, #tpu.memory_space<vmem>> -> memref<2048xf32, #tpu.memory_space<vmem>>
    tpu.enqueue_dma source(%dma_start3A_240 : memref<2048xf32, #tpu.memory_space<vmem>>) target(%dma_start3A_238 : memref<2048xf32, #tpu.memory_space<hbm>>) target_semaphore(%dma_start3A_237 : memref<!tpu.dma_semaphore, #tpu.memory_space<semaphore_mem>>)
    %dma_wait3A_241 = arith.constant 0 : i32
    %dma_wait3A_242 = arith.constant 0 : i32
    %dma_wait3A_243 = tpu.memref_slice %arg4[%dma_wait3A_242] : memref<52428800xf32, #tpu.memory_space<hbm>> -> memref<16384xf32, #tpu.memory_space<hbm>>
    %dma_wait3A_244 = tpu.memref_slice %arg13[%dma_wait3A_241] : memref<3x!tpu.dma_semaphore, #tpu.memory_space<semaphore_mem>> -> memref<1x!tpu.dma_semaphore, #tpu.memory_space<semaphore_mem>>
    %dma_wait3A_245 = tpu.memref_squeeze %dma_wait3A_244 : memref<1x!tpu.dma_semaphore, #tpu.memory_space<semaphore_mem>> -> memref<!tpu.dma_semaphore, #tpu.memory_space<semaphore_mem>>
    %dma_wait3A_246 = arith.constant 0 : i32
    %dma_wait3A_247 = tpu.memref_slice %arg4[%dma_wait3A_246] : memref<52428800xf32, #tpu.memory_space<hbm>> -> memref<16384xf32, #tpu.memory_space<hbm>>
    tpu.wait_dma2 semaphore(%dma_wait3A_245 : memref<!tpu.dma_semaphore, #tpu.memory_space<semaphore_mem>>) src(%dma_wait3A_247 : memref<16384xf32, #tpu.memory_space<hbm>>) dst(%arg9 : memref<16384xf32, #tpu.memory_space<vmem>>)
    %dma_wait3A_248 = arith.constant 1 : i32
    %dma_wait3A_249 = arith.constant 0 : i32
    %dma_wait3A_250 = tpu.memref_slice %arg4[%dma_wait3A_249] : memref<52428800xf32, #tpu.memory_space<hbm>> -> memref<16384xf32, #tpu.memory_space<hbm>>
    %dma_wait3A_251 = tpu.memref_slice %arg13[%dma_wait3A_248] : memref<3x!tpu.dma_semaphore, #tpu.memory_space<semaphore_mem>> -> memref<1x!tpu.dma_semaphore, #tpu.memory_space<semaphore_mem>>
    %dma_wait3A_252 = tpu.memref_squeeze %dma_wait3A_251 : memref<1x!tpu.dma_semaphore, #tpu.memory_space<semaphore_mem>> -> memref<!tpu.dma_semaphore, #tpu.memory_space<semaphore_mem>>
    %dma_wait3A_253 = arith.constant 0 : i32
    %dma_wait3A_254 = tpu.memref_slice %arg4[%dma_wait3A_253] : memref<52428800xf32, #tpu.memory_space<hbm>> -> memref<16384xf32, #tpu.memory_space<hbm>>
    tpu.wait_dma2 semaphore(%dma_wait3A_252 : memref<!tpu.dma_semaphore, #tpu.memory_space<semaphore_mem>>) src(%dma_wait3A_254 : memref<16384xf32, #tpu.memory_space<hbm>>) dst(%arg10 : memref<16384xf32, #tpu.memory_space<vmem>>)
    %dma_wait3A_255 = arith.constant 2 : i32
    %dma_wait3A_256 = arith.constant 0 : i32
    %dma_wait3A_257 = tpu.memref_slice %arg4[%dma_wait3A_256] : memref<52428800xf32, #tpu.memory_space<hbm>> -> memref<16384xf32, #tpu.memory_space<hbm>>
    %dma_wait3A_258 = tpu.memref_slice %arg13[%dma_wait3A_255] : memref<3x!tpu.dma_semaphore, #tpu.memory_space<semaphore_mem>> -> memref<1x!tpu.dma_semaphore, #tpu.memory_space<semaphore_mem>>
    %dma_wait3A_259 = tpu.memref_squeeze %dma_wait3A_258 : memref<1x!tpu.dma_semaphore, #tpu.memory_space<semaphore_mem>> -> memref<!tpu.dma_semaphore, #tpu.memory_space<semaphore_mem>>
    %dma_wait3A_260 = arith.constant 0 : i32
    %dma_wait3A_261 = tpu.memref_slice %arg4[%dma_wait3A_260] : memref<52428800xf32, #tpu.memory_space<hbm>> -> memref<16384xf32, #tpu.memory_space<hbm>>
    tpu.wait_dma2 semaphore(%dma_wait3A_259 : memref<!tpu.dma_semaphore, #tpu.memory_space<semaphore_mem>>) src(%dma_wait3A_261 : memref<16384xf32, #tpu.memory_space<hbm>>) dst(%arg11 : memref<16384xf32, #tpu.memory_space<vmem>>)
    return
  }
}

</mosaic_0001>

<sc_bundles>
// kernel: kernel.3.cloned.1.call-start
scs
__scs_entry_jumppad:
0x0: {  	(pc) =	sbr.rel $0x88, $3  }
0x1: {  	(tag) =	ssettag $0x0;
	lr =	simm.s32 $0x1  }
0x2: {  	[smem:$0x3F9F] =	sst lr;
	_ =	strace $0xD0000000  }
0x3: {  	_ = 	snop  }
0x4: {  	_ = 	snop  }
0x5: {  	_ = 	snop  }
0x6: {  	_ = 	snop  }
0x7: {  	_ = 	snop  }
__scs_overlays_trampoline_lowered:
0x8: {  	[smem:$0x3FAE] =	sst s0  }
0x9: {  	[smem:$0x3FAF] =	sst s1  }
0xa: {  	[smem:$0x3FB0] =	sst s2  }
0xb: {  	[smem:$0x3FB1] =	sst s3  }
0xc: {  	[smem:$0x3FB2] =	sst s4  }
0xd: {  	[smem:$0x3FB3] =	sst s5  }
0xe: {  	[smem:$0x3FB4] =	sst s6  }
0xf: {  	[smem:$0x3FB5] =	sst s7  }
0x10: {  	[smem:$0x3FB6] =	sst s8  }
0x11: {  	[smem:$0x3FB7] =	sst s9;
	s0 =	simm.s32 @!p0 $0x0  }
0x12: {  	s1 =	sld [smem:$0x3F9D];
	s0 =	simm.s32 @p0 $0x1  }
0x13: {  	[smem:$0x3FB8] =	sst s0;
	s0 =	simm.s32 @!p1 $0x0  }
0x14: {  	s2 =	sld [smem:$0x3F9C];
	s0 =	simm.s32 @p1 $0x1  }
0x15: {  	[smem:$0x3FB9] =	sst s0;
	s0 =	simm.s32 @!p2 $0x0  }
0x16: {  	s3 =	sld [smem:$0x3FDB];
	s0 =	simm.s32 @p2 $0x1  }
0x17: {  	s4 =	simm.s32 $0x1BF5;
	[smem:$0x3FBB] =	sst s0  }
0x18: {  	s0 =	sld [smem:$0x3F9E];
	_ =	swait.ge [sflag:s4], $0x0  }
0x19: {  	s7 =	sld [smem:$0x3F9F]  }
0x1a: {  	s8 =	sadd.s32 $0xFFFFE003, lr  }
0x1b: {  	s9 =	sadd.s32 $0xFFFFFEF7, lr;
	s5 =	simm.s32 $0xFFFFFFFF;
	p2 =	slt.u32 s8, $0xFFFFF086  }
0x1c: {  	p1 =	slt.u32 s9, $0xF7A;
	s5 =	simm.s32 @!p2 $0x0  }
0x1d: {  	s5 =	simm.s32 @p1 $0x1;
	p0 =	seq.s32 s7, s2  }
0x1e: {  	s7 =	smul.u32 @!p0 $0xF7A, s2;
	p2 =	seq.s32 @!p0 s5, $0x0  }
0x1f: {  	s9 =	smul.u32 $0xF7A, s1;
	s8 =	simm.s32 @!p0 $0x1BF5;
	p2 =	por !p2, p0  }
0x20: {  	[sflag:s8] =	ssyncset.s32 @!p0 $0xFFFFF086;
	s6 =	sadd.s32 @!p0 s3, s7;
	s7 =	simm.s32 @!p0 $0x108  }
0x21: {  	s3 =	sadd.s32 s3, s9;
	s6 =	sadd.s32 @!p0 $0x88, s6;
	s7 =	simm.s32 @p2 $0x1082  }
0x22: {  	[simem:s7], [sflag:s8] =	dma.local @!p0 [hbm:s6], $0xF7A  }
0x23: {  	s9 =	sor.u32 $0xD0000000, s2;
	s6 =	simm.s32 $0x108;
	_ =	swait.ge @!p0 [sflag:s8], $0x0  }
0x24: {  	s3 =	sadd.s32 $0x88, s3;
	s6 =	simm.s32 @!p1 $0x1082;
	[sflag:s4] =	ssyncset.s32 $0xFFFFF086  }
0x25: {  	[simem:s6], [sflag:s4] =	dma.local [hbm:s3], $0xF7A  }
0x26: {  	[smem:$0x3F9F] =	sst s1;
	(tag) =	ssettag s2;
	_ =	strace s9  }
0x27: {  	s1 =	sld [smem:$0x3FAF]  }
0x28: {  	s2 =	sld [smem:$0x3FB0]  }
0x29: {  	s4 =	sld [smem:$0x3FB2]  }
0x2a: {  	p0 =	seq.s32 s5, $0x0;
	s5 =	sld [smem:$0x3FB3]  }
0x2b: {  	s6 =	sld [smem:$0x3FB4]  }
0x2c: {  	s7 =	sld [smem:$0x3FB5]  }
0x2d: {  	s3 =	simm.s32 $0x108;
	s8 =	sld [smem:$0x3FB6]  }
0x2e: {  	s3 =	simm.s32 @!p0 $0x1082;
	s9 =	sld [smem:$0x3FB7]  }
0x2f: {  	lr =	sadd.s32 s0, s3;
	s0 =	sld [smem:$0x3FAE]  }
0x30: {  	s3 =	sld [smem:$0x3FB1]  }
0x31: {  	[smem:$0x3FBA] =	sst s10  }
0x32: {  	s10 =	sld [smem:$0x3FB8];
	_ =	sdelay $0x3  }
0x33: {  	p0 =	seq.s32 s10, $0x1;
	s10 =	sld [smem:$0x3FBA];
	_ =	sdelay $0x3  }
0x34: {  	[smem:$0x3FBA] =	sst s10  }
0x35: {  	s10 =	sld [smem:$0x3FB9];
	_ =	sdelay $0x3  }
0x36: {  	p1 =	seq.s32 s10, $0x1;
	s10 =	sld [smem:$0x3FBA];
	_ =	sdelay $0x3  }
0x37: {  	[smem:$0x3FBA] =	sst s10  }
0x38: {  	s10 =	sld [smem:$0x3FBB]  }
0x39: {  	_ = 	snop;
	(pc) =	sbr.ind lr, $3  }
0x3a: {  	_ = 	snop  }
0x3b: {  	_ = 	snop  }
0x3c: {  	p2 =	seq.s32 s10, $0x1;
	s10 =	sld [smem:$0x3FBA]  }
0x3d: {  	_ =	shalt  }
0x3e: {  	_ =	shalt  }
0x3f: {  	_ =	shalt  }
0x40: {  	_ =	shalt  }
0x41: {  	_ =	shalt  }
0x42: {  	_ =	shalt  }
0x43: {  	_ =	shalt  }
0x44: {  	_ =	shalt  }
0x45: {  	_ =	shalt  }
0x46: {  	_ =	shalt  }
0x47: {  	_ =	shalt  }
0x48: {  	_ =	shalt  }
0x49: {  	_ =	shalt  }
0x4a: {  	_ =	shalt  }
0x4b: {  	_ =	shalt  }
0x4c: {  	_ =	shalt  }
0x4d: {  	_ =	shalt  }
0x4e: {  	_ =	shalt  }
0x4f: {  	_ =	shalt  }
0x50: {  	_ =	shalt  }
0x51: {  	_ =	shalt  }
0x52: {  	_ =	shalt  }
0x53: {  	_ =	shalt  }
0x54: {  	_ =	shalt  }
0x55: {  	_ =	shalt  }
0x56: {  	_ =	shalt  }
0x57: {  	_ =	shalt  }
0x58: {  	_ =	shalt  }
0x59: {  	_ =	shalt  }
0x5a: {  	_ =	shalt  }
0x5b: {  	_ =	shalt  }
0x5c: {  	_ =	shalt  }
0x5d: {  	_ =	shalt  }
0x5e: {  	_ =	shalt  }
0x5f: {  	_ =	shalt  }
0x60: {  	_ =	shalt  }
0x61: {  	_ =	shalt  }
0x62: {  	_ =	shalt  }
0x63: {  	_ =	shalt  }
0x64: {  	_ =	shalt  }
0x65: {  	_ =	shalt  }
0x66: {  	_ =	shalt  }
0x67: {  	_ =	shalt  }
0x68: {  	_ =	shalt  }
0x69: {  	_ =	shalt  }
0x6a: {  	_ =	shalt  }
0x6b: {  	_ =	shalt  }
0x6c: {  	_ =	shalt  }
0x6d: {  	_ =	shalt  }
0x6e: {  	_ =	shalt  }
0x6f: {  	_ =	shalt  }
0x70: {  	_ =	shalt  }
0x71: {  	_ =	shalt  }
0x72: {  	_ =	shalt  }
0x73: {  	_ =	shalt  }
0x74: {  	_ =	shalt  }
0x75: {  	_ =	shalt  }
0x76: {  	_ =	shalt  }
0x77: {  	_ =	shalt  }
0x78: {  	_ =	shalt  }
0x79: {  	_ =	shalt  }
0x7a: {  	_ =	shalt  }
0x7b: {  	_ =	shalt  }
0x7c: {  	_ =	shalt  }
0x7d: {  	_ =	shalt  }
0x7e: {  	_ =	shalt  }
0x7f: {  	_ =	shalt  }
0x80: {  	_ =	shalt  }
0x81: {  	_ =	shalt  }
0x82: {  	_ =	shalt  }
0x83: {  	_ =	shalt  }
0x84: {  	_ =	shalt  }
0x85: {  	_ =	shalt  }
0x86: {  	_ =	shalt  }
0x87: {  	_ =	shalt  }
.Lfunc_end0:
.L_simem_size_0:
called_computation_lowered:
.L_overlay_start_0:
0x88: {  	s2 =	sld [smem:$0x3FD9]  }
0x89: {  	s3 =	sld [smem:$0x3FFE];
	_ =	sdelay $0x1  }
0x8a: {  	s1 =	srdreg.scid  }
0x8b: {  	s0 =	sand.u32 $0x1, s1  }
0x8c: {  	s17 =	sshll.u32 s0, $0xA;
	s2 =	sadd.s32 s3, s2  }
0x8d: {  	s2 =	sadd.s32 s2, s17  }
0x8e: {  	[smem:$0x3FC6] =	sst s2  }
0x8f: {  	_ = 	snop  }
0x90: {  	s2 =	sld [smem:$0x3FD0];
	(tm) =	ssettm $0x1  }
0x91: {  	s18 =	sld [smem:$0x3FFB];
	_ =	sdelay $0x3  }
0x92: {  	_ =	strace s18  }
0x93: {  	s3 =	sld [smem:$0x3FFC];
	_ =	sdelay $0x3  }
0x94: {  	_ =	strace s3  }
0x95: {  	s3 =	sld [smem:$0x3FFD];
	_ =	sdelay $0x3  }
0x96: {  	_ =	strace s3  }
0x97: {  	_ =	strace $0x8FFFFFFF  }
0x98: {  	s19 =	sld [smem:$0x3FDB];
	_ =	sdelay $0x1  }
0x99: {  	s4 =	simm.s32 $_scs_section_size  }
0x9a: {  	s5 =	simm.s32 $_size__tile_overlayer_lowered;
	s6 =	simm.s32 $_tile_overlayer_lowered  }
0x9b: {  	s22 =	simm.s32 $0x1BFF;
	s21 =	sshll.u32 s6, $0x1;
	s3 =	sadd.s32 s4, s19  }
0x9c: {  	s7 =	simm.s32 $0x0;
	s20 =	sshll.u32 s5, $0x1;
	s5 =	sadd.s32 s21, s3  }
0x9d: {  	[timem:s7], [sflag:s22] =	dma.local [hbm:s5], s20  }
0x9e: {  	_ =	swait.ge [sflag:s22], s20  }
0x9f: {  	s4 =	ssub.s32 $0x0, s20;
	[sflag:s22] =	ssyncset.done $0x0  }
0xa0: {  	[sflag:s22] =	ssyncadd.s32 s4;
	_ =	sdelay $0x1  }
0xa1: {  	s23 =	simm.s32 $0x1B8B  }
0xa2: {  	_ =	swait.ge [sflag:s23], $0x1  }
0xa3: {  	[sflag:s23] =	ssyncset.done $0x0  }
0xa4: {  	s25 =	simm.s32 $0x1B8E;
	s24 =	sld [smem:$0x3FFE];
	[sflag:s23] =	ssyncadd.s32 $0xFFFFFFFF  }
0xa5: {  	s26 =	simm.s32 $execute0_lowered;
	[smem:$0x3FD2] =	sst s25  }
0xa6: {  	s5 =	sshll.u32 s26, $0x1;
	_ =	strace $0x80000046;
	[dreg:$0x1] =	wrdreg $0xFFFFFFFF  }
0xa7: {  	s28 =	simm.s32 $_size_execute0_lowered;
	s3 =	sadd.s32 s3, s5;
	[dreg:$0x0] =	wrdreg $0x0  }
0xa8: {  	s5 =	sshll.u32 s28, $0x1;
	[dreg:$0x2] =	wrdreg s3  }
0xa9: {  	[dreg:$0x3] =	wrdreg s5  }
0xaa: {  	[dreg:$0x4] =	wrdreg $0xC0  }
0xab: {  	_ =	task [dreg:s7], $0x5FFFF  }
0xac: {  	[dreg:$0x1] =	wrdreg $0xFFFFFFFF  }
0xad: {  	[dreg:$0x0] =	wrdreg $0x60  }
0xae: {  	[dreg:$0x2] =	wrdreg s24  }
0xaf: {  	[dreg:$0x3] =	wrdreg s2  }
0xb0: {  	[dreg:$0x4] =	wrdreg $0x9  }
0xb1: {  	_ =	task.clear_ibuf [dreg:s7], $0x5FFFF;
	_ =	strace $0x90000046  }
0xb2: {  	s29 =	simm.s32 $0x9;
	_ =	strace $0x80000048  }
0xb3: {  	_ =	swait.ge [sflag:s29], $0x1  }
0xb4: {  	[sflag:s29] =	ssyncadd.s32 $0xFFFFFFFF  }
0xb5: {  	_ =	strace $0x90000048  }
0xb6: {  	_ =	sfence  }
0xb7: {  	s30 =	sld [smem:$0x0];
	_ =	sdelay $0x2  }
0xb8: {  	s31 =	sshll.u32 s1, $0xD;
	s1 =	sshrl.u32 s1, $0x2  }
0xb9: {  	s3 =	sand.u32 $0x4000, s31;
	s1 =	sadd.s32 s1, s30  }
0xba: {  	s0 =	sor.u32 s3, s0;
	s1 =	sshll.u32 s1, $0x11  }
0xbb: {  	s0 =	sor.u32 s1, s0  }
0xbc: {  	s0 =	sadd.s32 $0x8F2B, s0  }
0xbd: {  	[sflag:s0] =	ssyncadd.remote.s32 $0x1  }
0xbe: {  	_ =	sfence.sel $0xFFFF  }
0xbf: {  	[dreg:$0x0] =	wrdreg $0xFFFFFFFF;
	(pc) =	sbr.abs _section_cstart, $3  }
0xc0: {  	[dreg:$0x1] =	wrdreg $0xFFFFFFFF  }
0xc1: {  	_ =	task.clear_ibuf [dreg:s7], $0x2FFFF;
	_ =	strace $0x9FFFFFFF  }
0xc2: {  	(tm) =	ssettm $0x7FFFFFFF  }
0xc3: {  	_ =	shalt  }
tec
execute0_lowered:
.L_overlay_start_1:
0x0: {  	(tag) =	ssettag $0x1  }
0x1: {  	v0 =	vimm.s32 $0xB80  }
0x2: {  	vm14 =	vcmask $0x300;
	vm13 =	vcmask $0x704;
	vm12 =	vcmask $0xB08  }
0x3: {  	vm11 =	vcmask $0xF0C;
	vm10 =	vcmask $0x1310;
	vm9 =	vcmask $0x1714  }
0x4: {  	s0 =	rddreg [dreg:$0x0];
	vm8 =	vcmask $0x1B18;
	vm7 =	vcmask $0x1F1C;
	vm6 =	vcmask $0x2320  }
0x5: {  	s1 =	srdreg.scid;
	s2 =	stileid.u32;
	vm5 =	vcmask $0x2724;
	vm4 =	vcmask $0x2B28;
	vm3 =	vcmask $0x2F2C  }
0x6: {  	s7 =	rddreg [dreg:$0x1];
	s3 =	simm.s32 $0x0;
	vm2 =	vcmask $0x3330;
	vm1 =	vcmask $0x3734;
	vm0 =	vcmask $0x3B38;
	s1 =	sand.u32 $0x1, s1  }
0x7: {  	v1 =	vimm.s32 $0x1B80;
	v2 =	vimm.s32 $0x2B80;
	v3 =	vimm.s32 $0x3B80;
	s2 =	sshll.u32 s2, $0x1;
	[smem:$0x7FF] =	sst s3;
	s17 =	sadd.s32 $0x1000, s7  }
0x8: {  	v0 =	vsel vm14, $0x0, v0;
	s18 =	sadd.s32 $0x2000, s7;
	v1 =	vsel vm14, $0x1000, v1;
	v2 =	vsel vm14, $0x2000, v2;
	_ =	strace $0x80000047;
	[dreg:$0x4] =	wrdreg s17  }
0x9: {  	s4 =	sadd.s32 $0xF42A00, s0;
	s8 =	sadd.s32 $0x3000, s7;
	v3 =	vsel vm14, $0x3000, v3;
	v0 =	vsel vm13, $0x80, v0;
	[dreg:$0x5] =	wrdreg s18;
	v1 =	vsel vm13, $0x1080, v1  }
0xa: {  	s9 =	sadd.s32 $0x4000, s7;
	s10 =	sadd.s32 $0x5000, s7;
	[dreg:$0x6] =	wrdreg s8;
	v2 =	vsel vm13, $0x2080, v2;
	v3 =	vsel vm13, $0x3080, v3;
	v0 =	vsel vm12, $0x100, v0  }
0xb: {  	s11 =	sadd.s32 $0x6000, s7;
	s2 =	sor.u32 s1, s2;
	[dreg:$0x7] =	wrdreg s9;
	v1 =	vsel vm12, $0x1100, v1;
	v2 =	vsel vm12, $0x2100, v2;
	v3 =	vsel vm12, $0x3100, v3  }
0xc: {  	s12 =	sadd.s32 $0x7000, s7;
	[dreg:$0x8] =	wrdreg s10;
	s5 =	smul.u32 $0xC80, s2;
	v0 =	vsel vm11, $0x180, v0;
	v1 =	vsel vm11, $0x1180, v1;
	v2 =	vsel vm11, $0x2180, v2  }
0xd: {  	s1 =	ssub.s32 $0x2, s1;
	[dreg:$0x9] =	wrdreg s11;
	s31 =	smul.u32 $0x64, s2;
	v3 =	vsel vm11, $0x3180, v3;
	v0 =	vsel vm10, $0x200, v0;
	v1 =	vsel vm10, $0x1200, v1  }
0xe: {  	[dreg:$0xa] =	wrdreg s12;
	s6 =	sshrl.u32 s1, $0x1;
	s0 =	sadd.s32 s5, s0;
	v2 =	vsel vm10, $0x2200, v2;
	v3 =	vsel vm10, $0x3200, v3;
	v0 =	vsel vm9, $0x280, v0  }
0xf: {  	s1 =	ssub.s32 s1, s6;
	s19 =	sadd.s32 $0x63, s31;
	s0 =	sadd.s32 $0x600, s0;
	v1 =	vsel vm9, $0x1280, v1;
	v2 =	vsel vm9, $0x2280, v2;
	v3 =	vsel vm9, $0x3280, v3  }
0x10: {  	s20 =	sshll.u32 s19, $0xB;
	v0 =	vsel vm8, $0x300, v0;
	[dreg:$0x3] =	wrdreg s0;
	s0 =	sshll.u32 s19, $0x8;
	v1 =	vsel vm8, $0x1300, v1;
	v2 =	vsel vm8, $0x2300, v2  }
0x11: {  	s21 =	sor.u32 $0x1, s31;
	s2 =	sand.u32 $0xFF8000, s20;
	v3 =	vsel vm8, $0x3300, v3;
	v0 =	vsel vm7, $0x380, v0;
	s0 =	sand.u32 $0xF00, s0;
	v1 =	vsel vm7, $0x1380, v1  }
0x12: {  	s30 =	smax.u32 s1, $0x1;
	[dreg:$0xb] =	wrdreg s21;
	v2 =	vsel vm7, $0x2380, v2;
	v3 =	vsel vm7, $0x3380, v3;
	v0 =	vsel vm6, $0x800, v0;
	s0 =	sor.u32 s0, s2  }
0x13: {  	[dreg:$0x14] =	wrdreg s30;
	v1 =	vsel vm6, $0x1800, v1;
	v2 =	vsel vm6, $0x2800, v2;
	v3 =	vsel vm6, $0x3800, v3;
	s22 =	sadd.s32 s7, s0  }
0x14: {  	v0 =	vsel vm5, $0x880, v0;
	s23 =	sadd.s32 s0, s17;
	v1 =	vsel vm5, $0x1880, v1;
	v2 =	vsel vm5, $0x2880, v2;
	[dreg:$0xc] =	wrdreg s22  }
0x15: {  	s24 =	sadd.s32 s0, s18;
	v3 =	vsel vm5, $0x3880, v3;
	v0 =	vsel vm4, $0x900, v0;
	[dreg:$0xd] =	wrdreg s23;
	v1 =	vsel vm4, $0x1900, v1  }
0x16: {  	s25 =	sadd.s32 s0, s8;
	[dreg:$0xe] =	wrdreg s24;
	v2 =	vsel vm4, $0x2900, v2;
	v3 =	vsel vm4, $0x3900, v3;
	v0 =	vsel vm3, $0x980, v0  }
0x17: {  	s26 =	sadd.s32 s0, s9;
	[dreg:$0xf] =	wrdreg s25;
	v1 =	vsel vm3, $0x1980, v1;
	v2 =	vsel vm3, $0x2980, v2;
	v3 =	vsel vm3, $0x3980, v3  }
0x18: {  	s28 =	sadd.s32 s0, s10;
	[dreg:$0x10] =	wrdreg s26;
	v0 =	vsel vm2, $0xA00, v0;
	v1 =	vsel vm2, $0x1A00, v1;
	v2 =	vsel vm2, $0x2A00, v2  }
0x19: {  	s6 =	simm.s32 $0x12400;
	s29 =	sadd.s32 s0, s11;
	[dreg:$0x11] =	wrdreg s28;
	v3 =	vsel vm2, $0x3A00, v3;
	v0 =	vsel vm1, $0xA80, v0;
	v1 =	vsel vm1, $0x1A80, v1  }
0x1a: {  	s2 =	simm.s32 $0x0;
	s0 =	sadd.s32 s0, s12;
	[dreg:$0x12] =	wrdreg s29;
	v2 =	vsel vm1, $0x2A80, v2;
	v3 =	vsel vm1, $0x3A80, v3;
	v0 =	vsel vm0, $0xB00, v0  }
0x1b: {  	[dreg:$0x13] =	wrdreg s0;
	s23 =	simm.s32 $0x16400;
	s26 =	simm.s32 $0x1A400;
	v1 =	vsel vm0, $0x1B00, v1;
	v2 =	vsel vm0, $0x2B00, v2;
	v3 =	vsel vm0, $0x3B00, v3  }
.LBB2_1:
0x1c: {  	[dreg:$0x15] =	wrdreg s2  }
0x1d: {  	s0 =	rddreg [dreg:$0x3];
	s21 =	simm.s32 $0x7  }
0x1e: {  	[tilespmem:s3], [sflag:$0x7] =	stream.linear.gather [hbm4b:s0+s3], $0x6400, $0x38;
	[tilespmem:$0x1E400] =	vst v63  }
0x1f: {  	_ =	swait.ge [sflag:s21], $0x6400  }
0x20: {  	[sflag:s21] =	ssyncset.done $0x0  }
0x21: {  	s22 =	simm.s32 $0x80;
	s1 =	simm.s32 $0x6400;
	[sflag:s21] =	ssyncadd.s32 $0xFFFF9C00  }
0x22: {  	[tilespmem:s1], [sflag:$0x1] =	stream.indirect.gather [hbm4b:s4+s22], $0x40, s3, s22, $0xb8;
	[tilespmem:$0x1E400] =	vst v63  }
0x23: {  	s24 =	simm.s32 $0x8400  }
0x24: {  	[tilespmem:s24], [sflag:$0x1] =	stream.indirect.gather [hbm4b:s4+s22], $0x40, s22, s22, $0xb8;
	[tilespmem:$0x1E400] =	vst v63  }
0x25: {  	s25 =	simm.s32 $0x100;
	s28 =	simm.s32 $0xA400  }
0x26: {  	[tilespmem:s28], [sflag:$0x2] =	stream.indirect.gather [hbm4b:s4+s22], $0x40, s25, s22, $0xb8;
	[tilespmem:$0x1E400] =	vst v63  }
0x27: {  	s29 =	simm.s32 $0x180;
	s30 =	simm.s32 $0xC400;
	s15 =	simm.s32 $0x0  }
0x28: {  	[tilespmem:s30], [sflag:$0x2] =	stream.indirect.gather [hbm4b:s4+s22], $0x40, s29, s22, $0xb8;
	[tilespmem:$0x1E400] =	vst v63  }
.LBB2_2:
0x29: {  	s16 =	smul.u32 $0x3, s15;
	_ =	sdelay $0x1  }
0x2a: {  	s30 =	sadd.s32 $0x2, s16  }
0x2b: {  	s0 =	sshll.u32 s30, $0x8  }
0x2c: {  	s1 =	simm.s32 $0x80;
	s2 =	simm.s32 $0xE400;
	s0 =	sand.u32 $0x3FFFFF00, s0  }
0x2d: {  	[tilespmem:s2], [sflag:$0x3] =	stream.indirect.gather [hbm4b:s4+s1], $0x40, s0, s1, $0xb8;
	[tilespmem:$0x1E400] =	vst v63  }
0x2e: {  	s12 =	simm.s32 $0x10400;
	s13 =	simm.s32 $0x1;
	s0 =	sor.u32 $0x80, s0  }
0x2f: {  	[tilespmem:s12], [sflag:$0x3] =	stream.indirect.gather [hbm4b:s4+s1], $0x40, s0, s1, $0xb8;
	[tilespmem:$0x1E400] =	vst v63  }
0x30: {  	_ =	swait.ge [sflag:s13], $0x4000  }
0x31: {  	p0 =	seq.s32 s15, $0x0;
	[sflag:s13] =	ssyncset.done $0x0  }
0x32: {  	s0 =	simm.s32 @!p0 $0x4;
	[sflag:s13] =	ssyncadd.s32 $0xFFFFC000  }
0x33: {  	s14 =	simm.s32 $0x0;
	s29 =	simm.s32 $0x6500;
	_ =	swait.ge @!p0 [sflag:s0], $0x4000  }
0x34: {  	s17 =	simm.s32 $0x1;
	s18 =	simm.s32 $0x5;
	[sflag:s0] =	ssyncset.done @!p0 $0x0  }
0x35: {  	s1 =	sand.u32 $0x79, s17;
	[sflag:s0] =	ssyncadd.s32 @!p0 $0xFFFFC000;
	s0 =	sand.u32 $0x400, s14  }
0x36: {  	s20 =	simm.s32 $0x7;
	s19 =	sand.u32 $0x7D, s18;
	v4 =	vld [tilespmem:s29+$0xFFFFFF00];
	s17 =	sor.u32 s1, s0  }
0x37: {  	s2 =	sand.u32 $0x7F, s20;
	s14 =	simm.s32 $0x3;
	v6 =	vld [tilespmem:s29+$0xFFFFFF40];
	s18 =	sor.u32 s19, s0;
	v5 =	vor.u32 s17, v0  }
0x38: {  	s21 =	simm.s32 $0x6;
	s14 =	sand.u32 $0x7B, s14;
	v7 =	vld [tilespmem:s29+$0x40];
	s2 =	sor.u32 s2, s0;
	v8 =	vor.u32 s18, v0  }
0x39: {  	s25 =	simm.s32 $0x4;
	s1 =	sand.u32 $0x7E, s21;
	v11 =	vld [tilespmem:s29+$0xC0];
	s28 =	sor.u32 s14, s0;
	v12 =	vor.u32 s2, v0  }
0x3a: {  	v10 =	vld [tilespmem:s29+$0xFFFFFFC0];
	s14 =	simm.s32 $0x0;
	s24 =	sor.u32 s1, s0;
	s1 =	sand.u32 $0x7C, s25;
	v9 =	vor.u32 s28, v0  }
0x3b: {  	s20 =	simm.s32 $0x2;
	v13 =	vld [tilespmem:s29+$0x80];
	s19 =	sand.u32 $0x78, s14;
	v14 =	vor.u32 s24, v0;
	s21 =	sor.u32 s1, s0  }
0x3c: {  	s22 =	sand.u32 $0x7A, s20;
	v16 =	vld [tilespmem:s29+$0x0];
	s19 =	sor.u32 s19, s0;
	v18 =	vor.u32 s21, v0;
	[tilespmem:v5+s6+$0x0] =	vst.idx.msk $0xffff, v6  }
0x3d: {  	s20 =	sor.u32 s22, s0;
	v15 =	vor.u32 s19, v0;
	v6 =	vld [tilespmem:s29+$0xFFFFFF80];
	[tilespmem:v8+s6+$0x0] =	vst.idx.msk $0xffff, v7  }
0x3e: {  	v5 =	vor.u32 s20, v0;
	[tilespmem:v12+s6+$0x0] =	vst.idx.msk $0xffff, v11;
	v7 =	vld [tilespmem:s29+$0xFFFFFF50]  }
0x3f: {  	v8 =	vor.u32 s17, v1;
	[tilespmem:v9+s6+$0x0] =	vst.idx.msk $0xffff, v10;
	v12 =	vld [tilespmem:s29+$0xD0]  }
0x40: {  	v17 =	vor.u32 s28, v1;
	[tilespmem:v14+s6+$0x0] =	vst.idx.msk $0xffff, v13;
	v10 =	vld [tilespmem:s29+$0xFFFFFFD0]  }
0x41: {  	v13 =	vor.u32 s2, v1;
	v19 =	vld [tilespmem:s29+$0x50];
	[tilespmem:v18+s6+$0x0] =	vst.idx.msk $0xffff, v16  }
0x42: {  	v20 =	vor.u32 s18, v1;
	v9 =	vld [tilespmem:s29+$0x90];
	[tilespmem:v15+s6+$0x0] =	vst.idx.msk $0xffff, v4  }
0x43: {  	[tilespmem:v5+s6+$0x0] =	vst.idx.msk $0xffff, v6;
	v5 =	vld [tilespmem:s29+$0xFFFFFF10]  }
0x44: {  	v15 =	vor.u32 s24, v1;
	[tilespmem:v8+s6+$0x0] =	vst.idx.msk $0xffff, v7;
	v6 =	vld [tilespmem:s29+$0xFFFFFF90]  }
0x45: {  	v14 =	vor.u32 s17, v2;
	v11 =	vld [tilespmem:s29+$0xFFFFFF60];
	[tilespmem:v17+s6+$0x0] =	vst.idx.msk $0xffff, v10  }
0x46: {  	s13 =	smov.u32 s31;
	v4 =	vor.u32 s20, v1;
	[tilespmem:v13+s6+$0x0] =	vst.idx.msk $0xffff, v12;
	v13 =	vor.u32 s28, v2;
	v10 =	vld [tilespmem:s29+$0xFFFFFFE0]  }
0x47: {  	s22 =	simm.s32 $0x40;
	s1 =	simm.s32 $0x6700;
	s0 =	sadd.s32 s31, s16;
	v12 =	vor.u32 s19, v1;
	v7 =	vld [tilespmem:s29+$0x10];
	v8 =	vor.u32 s21, v1;
	[tilespmem:v20+s6+$0x0] =	vst.idx.msk $0xffff, v19  }
.LBB2_3:
0x48: {  	s31 =	sadd.s32 $0x9, s14  }
0x49: {  	s5 =	sadd.s32 $0xF, s14;
	[tilespmem:v15+s6+$0x0] =	vst.idx.msk $0xffff, v9;
	v9 =	vld [tilespmem:s29+$0xE0];
	s25 =	smov.u32 s14;
	s14 =	sadd.s32 $0x8, s14  }
0x4a: {  	s7 =	sand.u32 $0x78, s14;
	s8 =	sand.u32 $0x79, s31;
	s9 =	sadd.s32 $0xC, s25;
	[tilespmem:v14+s6+$0x0] =	vst.idx.msk $0xffff, v11;
	v11 =	vld [tilespmem:s29+$0x60];
	v14 =	vor.u32 s2, v2  }
0x4b: {  	s31 =	sand.u32 $0x400, s22;
	s10 =	sadd.s32 $0xA, s25;
	v15 =	vld [tilespmem:s1+$0xFFFFFF00];
	s9 =	sand.u32 $0x7C, s9;
	[tilespmem:v13+s6+$0x0] =	vst.idx.msk $0xffff, v10;
	v10 =	vor.u32 s18, v2  }
0x4c: {  	s11 =	sadd.s32 $0xB, s25;
	s10 =	sand.u32 $0x7A, s10;
	s9 =	sor.u32 s9, s31;
	[tilespmem:v12+s6+$0x0] =	vst.idx.msk $0xffff, v5;
	v5 =	vld [tilespmem:s29+$0xA0];
	v12 =	vor.u32 s24, v2  }
0x4d: {  	v16 =	vor.u32 s19, v2;
	s12 =	sadd.s32 $0xE, s25;
	s8 =	sor.u32 s8, s31;
	s11 =	sand.u32 $0x7B, s11;
	v13 =	vld [tilespmem:s29+$0xFFFFFF20];
	[tilespmem:v8+s6+$0x0] =	vst.idx.msk $0xffff, v7;
	v7 =	vor.u32 s21, v2  }
0x4e: {  	s25 =	sadd.s32 $0xD, s25;
	s10 =	sor.u32 s10, s31;
	s11 =	sor.u32 s11, s31;
	v8 =	vor.u32 s8, v0;
	[tilespmem:v4+s6+$0x0] =	vst.idx.msk $0xffff, v6;
	v6 =	vor.u32 s20, v2;
	v17 =	vld [tilespmem:s29+$0x20]  }
0x4f: {  	s5 =	sand.u32 $0x7F, s5;
	s7 =	sor.u32 s7, s31;
	s12 =	sand.u32 $0x7E, s12;
	v18 =	vor.u32 s10, v0;
	v19 =	vor.u32 s11, v0;
	v4 =	vor.u32 s10, v1;
	v20 =	vld [tilespmem:s29+$0xFFFFFFA0];
	[tilespmem:v14+s6+$0x0] =	vst.idx.msk $0xffff, v9  }
0x50: {  	p1 =	slt.u32 s14, $0xF8;
	s25 =	sand.u32 $0x7D, s25;
	s12 =	sor.u32 s12, s31;
	v21 =	vor.u32 s9, v0;
	v9 =	vor.u32 s7, v0;
	v14 =	vld [tilespmem:s1+$0xFFFFFF40];
	[tilespmem:v10+s6+$0x0] =	vst.idx.msk $0xffff, v11  }
0x51: {  	s25 =	sor.u32 s25, s31;
	v10 =	vor.u32 s2, v3;
	[tilespmem:v12+s6+$0x0] =	vst.idx.msk $0xffff, v5;
	v5 =	vld [tilespmem:s29+$0xF0]  }
0x52: {  	v12 =	vor.u32 s17, v3;
	s17 =	smov.u32 s8;
	[tilespmem:v16+s6+$0x0] =	vst.idx.msk $0xffff, v13;
	v11 =	vld [tilespmem:s29+$0xFFFFFF70]  }
0x53: {  	v13 =	vor.u32 s18, v3;
	s18 =	smov.u32 s25;
	[tilespmem:v7+s6+$0x0] =	vst.idx.msk $0xffff, v17;
	v7 =	vld [tilespmem:s29+$0x70]  }
0x54: {  	v16 =	vor.u32 s28, v3;
	s28 =	smov.u32 s11;
	[tilespmem:v6+s6+$0x0] =	vst.idx.msk $0xffff, v20;
	v6 =	vld [tilespmem:s29+$0xFFFFFFF0]  }
0x55: {  	[tilespmem:v8+s6+$0x0] =	vst.idx.msk $0xffff, v14;
	v8 =	vld [tilespmem:s29+$0x30];
	v14 =	vor.u32 s21, v3;
	s21 =	smov.u32 s9  }
0x56: {  	v20 =	vor.u32 s20, v3;
	s20 =	smov.u32 s10;
	v17 =	vld [tilespmem:s29+$0xFFFFFFB0];
	[tilespmem:v10+s6+$0x0] =	vst.idx.msk $0xffff, v5  }
0x57: {  	v10 =	vor.u32 s19, v3;
	s19 =	smov.u32 s7;
	v5 =	vld [tilespmem:s29+$0xFFFFFF30];
	[tilespmem:v12+s6+$0x0] =	vst.idx.msk $0xffff, v11;
	v11 =	vor.u32 s24, v3;
	s24 =	smov.u32 s12  }
0x58: {  	[tilespmem:v13+s6+$0x0] =	vst.idx.msk $0xffff, v7;
	v7 =	vld [tilespmem:s29+$0xB0];
	s29 =	smov.u32 s1  }
0x59: {  	v13 =	vor.u32 s18, v0;
	v12 =	vld [tilespmem:s1+$0x40];
	[tilespmem:v16+s6+$0x0] =	vst.idx.msk $0xffff, v6  }
0x5a: {  	s2 =	sor.u32 s5, s31;
	v6 =	vld [tilespmem:s1+$0xFFFFFFC0];
	[tilespmem:v14+s6+$0x0] =	vst.idx.msk $0xffff, v8  }
0x5b: {  	v14 =	vor.u32 s2, v0;
	v8 =	vld [tilespmem:s1+$0xC0];
	[tilespmem:v20+s6+$0x0] =	vst.idx.msk $0xffff, v17  }
0x5c: {  	v17 =	vor.u32 s24, v0;
	v16 =	vld [tilespmem:s1+$0x80];
	[tilespmem:v10+s6+$0x0] =	vst.idx.msk $0xffff, v5  }
0x5d: {  	v20 =	vld [tilespmem:s1+$0x0];
	[tilespmem:v11+s6+$0x0] =	vst.idx.msk $0xffff, v7  }
0x5e: {  	v5 =	vld [tilespmem:s1+$0xFFFFFF80];
	[tilespmem:v13+s6+$0x0] =	vst.idx.msk $0xffff, v12  }
0x5f: {  	v10 =	vor.u32 s17, v1;
	v7 =	vld [tilespmem:s1+$0xFFFFFF50];
	[tilespmem:v19+s6+$0x0] =	vst.idx.msk $0xffff, v6  }
0x60: {  	v12 =	vor.u32 s28, v1;
	v6 =	vld [tilespmem:s1+$0xFFFFFFD0];
	[tilespmem:v14+s6+$0x0] =	vst.idx.msk $0xffff, v8  }
0x61: {  	[tilespmem:v17+s6+$0x0] =	vst.idx.msk $0xffff, v16;
	v8 =	vld [tilespmem:s1+$0xD0];
	v16 =	vor.u32 s2, v1  }
0x62: {  	[tilespmem:v9+s6+$0x0] =	vst.idx.msk $0xffff, v15;
	v9 =	vld [tilespmem:s1+$0x90]  }
0x63: {  	[tilespmem:v18+s6+$0x0] =	vst.idx.msk $0xffff, v5;
	v17 =	vld [tilespmem:s1+$0x50];
	v18 =	vor.u32 s18, v1  }
.Ltmp0:
0x64: {  	v15 =	vor.u32 s24, v1;
	v5 =	vld [tilespmem:s1+$0xFFFFFF10];
	[tilespmem:v10+s6+$0x0] =	vst.idx.msk $0xffff, v7;
	(pc) =	sbr.rel @p1 .LBB2_3-.Ltmp0, $4  }
0x65: {  	v14 =	vor.u32 s17, v2;
	v11 =	vld [tilespmem:s1+$0xFFFFFF60];
	[tilespmem:v12+s6+$0x0] =	vst.idx.msk $0xffff, v6  }
0x66: {  	v13 =	vor.u32 s28, v2;
	v10 =	vld [tilespmem:s1+$0xFFFFFFE0];
	[tilespmem:v16+s6+$0x0] =	vst.idx.msk $0xffff, v8  }
0x67: {  	v12 =	vor.u32 s19, v1;
	v6 =	vld [tilespmem:s1+$0xFFFFFF90];
	[tilespmem:v21+s6+$0x0] =	vst.idx.msk $0xffff, v20  }
0x68: {  	s22 =	sadd.s32 $0x40, s22;
	v8 =	vor.u32 s21, v1;
	s1 =	sadd.s32 $0x200, s1;
	v7 =	vld [tilespmem:s29+$0x10];
	[tilespmem:v18+s6+$0x0] =	vst.idx.msk $0xffff, v17  }
0x69: {  	_ =	sdelay $0x3  }
0x6a: {  	[tilespmem:v15+s6+$0x0] =	vst.idx.msk $0xffff, v9  }
0x6b: {  	v9 =	vld [tilespmem:s29+$0xE0];
	[tilespmem:v14+s6+$0x0] =	vst.idx.msk $0xffff, v11;
	v11 =	vor.u32 s2, v2  }
0x6c: {  	[tilespmem:v12+s6+$0x0] =	vst.idx.msk $0xffff, v5;
	v12 =	vor.u32 s24, v2;
	v5 =	vld [tilespmem:s29+$0xA0]  }
0x6d: {  	v14 =	vld [tilespmem:s29+$0x60];
	[tilespmem:v13+s6+$0x0] =	vst.idx.msk $0xffff, v10;
	v10 =	vor.u32 s18, v2  }
0x6e: {  	v15 =	vor.u32 s19, v2;
	v13 =	vld [tilespmem:s29+$0xFFFFFF20];
	[tilespmem:v4+s6+$0x0] =	vst.idx.msk $0xffff, v6  }
0x6f: {  	v6 =	vor.u32 s20, v2;
	[tilespmem:v8+s6+$0x0] =	vst.idx.msk $0xffff, v7;
	v8 =	vld [tilespmem:s29+$0xFFFFFFA0]  }
0x70: {  	v7 =	vor.u32 s21, v2;
	v4 =	vld [tilespmem:s29+$0x20];
	[tilespmem:v11+s6+$0x0] =	vst.idx.msk $0xffff, v9  }
0x71: {  	[tilespmem:v12+s6+$0x0] =	vst.idx.msk $0xffff, v5  }
0x72: {  	v5 =	vld [tilespmem:s29+$0xFFFFFF70];
	v11 =	vor.u32 s17, v3;
	[tilespmem:v10+s6+$0x0] =	vst.idx.msk $0xffff, v14  }
0x73: {  	v9 =	vld [tilespmem:s29+$0xF0];
	v10 =	vor.u32 s2, v3;
	[tilespmem:v15+s6+$0x0] =	vst.idx.msk $0xffff, v13  }
0x74: {  	v13 =	vor.u32 s18, v3;
	v12 =	vld [tilespmem:s29+$0x70];
	[tilespmem:v6+s6+$0x0] =	vst.idx.msk $0xffff, v8  }
0x75: {  	[tilespmem:v7+s6+$0x0] =	vst.idx.msk $0xffff, v4;
	v4 =	vld [tilespmem:s29+$0xFFFFFFF0];
	v7 =	vor.u32 s28, v3  }
0x76: {  	v15 =	vor.u32 s20, v3;
	v14 =	vld [tilespmem:s29+$0xFFFFFFB0]  }
0x77: {  	v8 =	vor.u32 s21, v3;
	v6 =	vld [tilespmem:s29+$0x30];
	[tilespmem:v11+s6+$0x0] =	vst.idx.msk $0xffff, v5  }
0x78: {  	v5 =	vor.u32 s24, v3;
	v11 =	vld [tilespmem:s29+$0xB0];
	[tilespmem:v10+s6+$0x0] =	vst.idx.msk $0xffff, v9  }
0x79: {  	v9 =	vld [tilespmem:s29+$0xFFFFFF30];
	v10 =	vor.u32 s19, v3;
	[tilespmem:v13+s6+$0x0] =	vst.idx.msk $0xffff, v12  }
0x7a: {  	[tilespmem:v7+s6+$0x0] =	vst.idx.msk $0xffff, v4  }
0x7b: {  	s1 =	sshll.u32 s0, $0xB;
	s5 =	sshll.u32 s0, $0x8;
	[tilespmem:v15+s6+$0x0] =	vst.idx.msk $0xffff, v14  }
0x7c: {  	s1 =	sand.u32 $0xFFF8000, s1;
	s0 =	sand.u32 $0xF00, s5;
	[tilespmem:v8+s6+$0x0] =	vst.idx.msk $0xffff, v6  }
0x7d: {  	s7 =	rddreg [dreg:$0x1];
	s0 =	sor.u32 s0, s1;
	[tilespmem:v5+s6+$0x0] =	vst.idx.msk $0xffff, v11  }
0x7e: {  	s1 =	sadd.s32 s7, s0;
	[tilespmem:v10+s6+$0x0] =	vst.idx.msk $0xffff, v9  }
0x7f: {  	[hbm4b:s1+s3] =	stream.linear.scatter [tilespmem:s6], [sflag:$0x4], $0x800, $0x38;
	[tilespmem:$0x1E400] =	vst v63  }
0x80: {  	s9 =	simm.s32 $0x12C00;
	s8 =	rddreg [dreg:$0x4]  }
0x81: {  	s11 =	simm.s32 $0x13400;
	s10 =	rddreg [dreg:$0x5];
	s1 =	sadd.s32 s0, s8  }
0x82: {  	[hbm4b:s1+s3] =	stream.linear.scatter [tilespmem:s9], [sflag:$0x4], $0x800, $0x38;
	[tilespmem:$0x1E400] =	vst v63  }
0x83: {  	s14 =	simm.s32 $0x13C00;
	s12 =	rddreg [dreg:$0x6];
	s1 =	sadd.s32 s0, s10  }
0x84: {  	[hbm4b:s1+s3] =	stream.linear.scatter [tilespmem:s11], [sflag:$0x4], $0x800, $0x38;
	[tilespmem:$0x1E400] =	vst v63  }
0x85: {  	s22 =	simm.s32 $0x15400;
	s17 =	rddreg [dreg:$0x7];
	s1 =	sadd.s32 s0, s12  }
0x86: {  	[hbm4b:s1+s3] =	stream.linear.scatter [tilespmem:s14], [sflag:$0x4], $0x800, $0x38;
	[tilespmem:$0x1E400] =	vst v63  }
0x87: {  	s18 =	simm.s32 $0x14400;
	s19 =	rddreg [dreg:$0x8];
	s1 =	sadd.s32 s0, s17  }
0x88: {  	[hbm4b:s1+s3] =	stream.linear.scatter [tilespmem:s18], [sflag:$0x4], $0x800, $0x38;
	[tilespmem:$0x1E400] =	vst v63  }
0x89: {  	s20 =	simm.s32 $0x14C00;
	s21 =	rddreg [dreg:$0x9];
	s1 =	sadd.s32 s0, s19  }
0x8a: {  	[hbm4b:s1+s3] =	stream.linear.scatter [tilespmem:s20], [sflag:$0x4], $0x800, $0x38;
	[tilespmem:$0x1E400] =	vst v63  }
0x8b: {  	s25 =	smul.u32 $0xC00, s15;
	s24 =	rddreg [dreg:$0xa];
	s1 =	sadd.s32 s0, s21  }
0x8c: {  	[hbm4b:s1+s3] =	stream.linear.scatter [tilespmem:s22], [sflag:$0x4], $0x800, $0x38;
	[tilespmem:$0x1E400] =	vst v63  }
0x8d: {  	s31 =	simm.s32 $0x15C00;
	s29 =	sshra.s32 s25, $0x2;
	s0 =	sadd.s32 s0, s24  }
0x8e: {  	[hbm4b:s0+s3] =	stream.linear.scatter [tilespmem:s31], [sflag:$0x4], $0x800, $0x38;
	[tilespmem:$0x1E400] =	vst v63  }
0x8f: {  	s7 =	simm.s32 $0x80;
	s5 =	sadd.s32 $0x300, s29;
	s8 =	simm.s32 $0x6400  }
0x90: {  	[tilespmem:s8], [sflag:$0x1] =	stream.indirect.gather [hbm4b:s4+s7], $0x40, s5, s7, $0xb8;
	[tilespmem:$0x1E400] =	vst v63  }
0x91: {  	s9 =	sadd.s32 $0x380, s29;
	s10 =	simm.s32 $0x8400;
	s11 =	simm.s32 $0x2  }
0x92: {  	[tilespmem:s10], [sflag:$0x1] =	stream.indirect.gather [hbm4b:s4+s7], $0x40, s9, s7, $0xb8;
	[tilespmem:$0x1E400] =	vst v63  }
0x93: {  	_ =	swait.ge [sflag:s11], $0x4000  }
0x94: {  	s12 =	simm.s32 $0x0;
	s17 =	simm.s32 $0xA500;
	[sflag:s11] =	ssyncset.done $0x0  }
0x95: {  	s19 =	simm.s32 $0x3;
	s0 =	simm.s32 @!p0 $0x5;
	[sflag:s11] =	ssyncadd.s32 $0xFFFFC000  }
0x96: {  	s14 =	simm.s32 $0x1;
	s2 =	sand.u32 $0x7B, s19;
	_ =	swait.ge @!p0 [sflag:s0], $0x4000  }
0x97: {  	s1 =	sand.u32 $0x79, s14;
	s5 =	sand.u32 $0x400, s12;
	[sflag:s0] =	ssyncset.done @!p0 $0x0  }
0x98: {  	s20 =	simm.s32 $0x7;
	s28 =	sor.u32 s1, s5;
	[sflag:s0] =	ssyncadd.s32 @!p0 $0xFFFFC000  }
0x99: {  	s18 =	simm.s32 $0x5;
	s24 =	sor.u32 s2, s5;
	s1 =	sand.u32 $0x7F, s20;
	v5 =	vor.u32 s28, v0;
	v6 =	vld [tilespmem:s17+$0xFFFFFF40]  }
0x9a: {  	s7 =	simm.s32 $0x6;
	v9 =	vor.u32 s24, v0;
	s2 =	sor.u32 s1, s5;
	s0 =	sand.u32 $0x7D, s18;
	v10 =	vld [tilespmem:s17+$0xFFFFFFC0]  }
0x9b: {  	s25 =	simm.s32 $0x4;
	s7 =	sand.u32 $0x7E, s7;
	v12 =	vor.u32 s2, v0;
	s19 =	sor.u32 s0, s5;
	v11 =	vld [tilespmem:s17+$0xC0]  }
0x9c: {  	s1 =	sand.u32 $0x7C, s25;
	s18 =	sor.u32 s7, s5;
	v7 =	vld [tilespmem:s17+$0x40];
	s0 =	simm.s32 $0x0;
	v8 =	vor.u32 s19, v0  }
0x9d: {  	s8 =	simm.s32 $0x2;
	s14 =	sor.u32 s1, s5;
	v13 =	vld [tilespmem:s17+$0x80];
	v14 =	vor.u32 s18, v0;
	s21 =	sand.u32 $0x78, s0  }
0x9e: {  	s22 =	sand.u32 $0x7A, s8;
	v18 =	vor.u32 s14, v0;
	v16 =	vld [tilespmem:s17+$0x0];
	s20 =	sor.u32 s21, s5;
	[tilespmem:v5+s23+$0x0] =	vst.idx.msk $0xffff, v6  }
0x9f: {  	v4 =	vld [tilespmem:s17+$0xFFFFFF00];
	s21 =	sor.u32 s22, s5;
	v15 =	vor.u32 s20, v0;
	[tilespmem:v9+s23+$0x0] =	vst.idx.msk $0xffff, v10  }
0xa0: {  	v5 =	vor.u32 s21, v0;
	v6 =	vld [tilespmem:s17+$0xFFFFFF80];
	[tilespmem:v12+s23+$0x0] =	vst.idx.msk $0xffff, v11  }
0xa1: {  	[tilespmem:v8+s23+$0x0] =	vst.idx.msk $0xffff, v7;
	v7 =	vld [tilespmem:s17+$0xFFFFFF50];
	v8 =	vor.u32 s28, v1  }
0xa2: {  	v17 =	vor.u32 s24, v1;
	[tilespmem:v14+s23+$0x0] =	vst.idx.msk $0xffff, v13;
	v10 =	vld [tilespmem:s17+$0xFFFFFFD0]  }
0xa3: {  	v13 =	vor.u32 s2, v1;
	[tilespmem:v18+s23+$0x0] =	vst.idx.msk $0xffff, v16;
	v12 =	vld [tilespmem:s17+$0xD0]  }
0xa4: {  	v9 =	vld [tilespmem:s17+$0x90];
	[tilespmem:v15+s23+$0x0] =	vst.idx.msk $0xffff, v4  }
0xa5: {  	v20 =	vor.u32 s19, v1;
	v19 =	vld [tilespmem:s17+$0x50];
	[tilespmem:v5+s23+$0x0] =	vst.idx.msk $0xffff, v6  }
0xa6: {  	v5 =	vld [tilespmem:s17+$0xFFFFFF10];
	[tilespmem:v8+s23+$0x0] =	vst.idx.msk $0xffff, v7  }
0xa7: {  	v15 =	vor.u32 s18, v1;
	[tilespmem:v17+s23+$0x0] =	vst.idx.msk $0xffff, v10;
	v6 =	vld [tilespmem:s17+$0xFFFFFF90]  }
0xa8: {  	v14 =	vor.u32 s28, v2;
	[tilespmem:v13+s23+$0x0] =	vst.idx.msk $0xffff, v12;
	v11 =	vld [tilespmem:s17+$0xFFFFFF60]  }
0xa9: {  	v4 =	vor.u32 s21, v1;
	v13 =	vor.u32 s24, v2;
	v10 =	vld [tilespmem:s17+$0xFFFFFFE0];
	s31 =	rddreg [dreg:$0xb]  }
0xaa: {  	s1 =	simm.s32 $0xA700;
	s22 =	simm.s32 $0x40;
	v12 =	vor.u32 s20, v1;
	v7 =	vld [tilespmem:s17+$0x10];
	v8 =	vor.u32 s14, v1;
	[tilespmem:v20+s23+$0x0] =	vst.idx.msk $0xffff, v19;
	s16 =	sadd.s32 s16, s31  }
.LBB2_5:
0xab: {  	s5 =	sadd.s32 $0x9, s0  }
0xac: {  	s7 =	sadd.s32 $0xF, s0;
	[tilespmem:v15+s23+$0x0] =	vst.idx.msk $0xffff, v9;
	v9 =	vld [tilespmem:s17+$0xE0];
	s8 =	smov.u32 s0;
	s0 =	sadd.s32 $0x8, s0  }
0xad: {  	s9 =	sand.u32 $0x78, s0;
	s5 =	sand.u32 $0x79, s5;
	s10 =	sadd.s32 $0xC, s8;
	[tilespmem:v14+s23+$0x0] =	vst.idx.msk $0xffff, v11;
	v11 =	vld [tilespmem:s17+$0x60];
	v14 =	vor.u32 s2, v2  }
0xae: {  	s31 =	sand.u32 $0x400, s22;
	s11 =	sadd.s32 $0xA, s8;
	v15 =	vld [tilespmem:s1+$0xFFFFFF00];
	s10 =	sand.u32 $0x7C, s10;
	[tilespmem:v13+s23+$0x0] =	vst.idx.msk $0xffff, v10;
	v10 =	vor.u32 s19, v2  }
0xaf: {  	s12 =	sadd.s32 $0xB, s8;
	s11 =	sand.u32 $0x7A, s11;
	s10 =	sor.u32 s10, s31;
	[tilespmem:v12+s23+$0x0] =	vst.idx.msk $0xffff, v5;
	v5 =	vld [tilespmem:s17+$0xA0];
	v12 =	vor.u32 s18, v2  }
0xb0: {  	v16 =	vor.u32 s20, v2;
	s25 =	sadd.s32 $0xE, s8;
	s5 =	sor.u32 s5, s31;
	s12 =	sand.u32 $0x7B, s12;
	v13 =	vld [tilespmem:s17+$0xFFFFFF20];
	[tilespmem:v8+s23+$0x0] =	vst.idx.msk $0xffff, v7;
	v7 =	vor.u32 s14, v2  }
0xb1: {  	s8 =	sadd.s32 $0xD, s8;
	s11 =	sor.u32 s11, s31;
	s12 =	sor.u32 s12, s31;
	v8 =	vor.u32 s5, v0;
	[tilespmem:v4+s23+$0x0] =	vst.idx.msk $0xffff, v6;
	v6 =	vor.u32 s21, v2;
	v17 =	vld [tilespmem:s17+$0x20]  }
0xb2: {  	s7 =	sand.u32 $0x7F, s7;
	s9 =	sor.u32 s9, s31;
	s25 =	sand.u32 $0x7E, s25;
	v18 =	vor.u32 s11, v0;
	v19 =	vor.u32 s12, v0;
	v4 =	vor.u32 s11, v1;
	v20 =	vld [tilespmem:s17+$0xFFFFFFA0];
	[tilespmem:v14+s23+$0x0] =	vst.idx.msk $0xffff, v9  }
0xb3: {  	p1 =	slt.u32 s0, $0xF8;
	s8 =	sand.u32 $0x7D, s8;
	s25 =	sor.u32 s25, s31;
	v21 =	vor.u32 s10, v0;
	v9 =	vor.u32 s9, v0;
	v14 =	vld [tilespmem:s1+$0xFFFFFF40];
	[tilespmem:v10+s23+$0x0] =	vst.idx.msk $0xffff, v11  }
0xb4: {  	s8 =	sor.u32 s8, s31;
	v10 =	vor.u32 s2, v3;
	[tilespmem:v12+s23+$0x0] =	vst.idx.msk $0xffff, v5;
	v5 =	vld [tilespmem:s17+$0xF0]  }
0xb5: {  	v12 =	vor.u32 s28, v3;
	s28 =	smov.u32 s5;
	[tilespmem:v16+s23+$0x0] =	vst.idx.msk $0xffff, v13;
	v11 =	vld [tilespmem:s17+$0xFFFFFF70]  }
0xb6: {  	v13 =	vor.u32 s19, v3;
	s19 =	smov.u32 s8;
	[tilespmem:v7+s23+$0x0] =	vst.idx.msk $0xffff, v17;
	v7 =	vld [tilespmem:s17+$0x70]  }
0xb7: {  	v16 =	vor.u32 s24, v3;
	s24 =	smov.u32 s12;
	[tilespmem:v6+s23+$0x0] =	vst.idx.msk $0xffff, v20;
	v6 =	vld [tilespmem:s17+$0xFFFFFFF0]  }
0xb8: {  	[tilespmem:v8+s23+$0x0] =	vst.idx.msk $0xffff, v14;
	v8 =	vld [tilespmem:s17+$0x30];
	v14 =	vor.u32 s14, v3;
	s14 =	smov.u32 s10  }
0xb9: {  	v20 =	vor.u32 s21, v3;
	s21 =	smov.u32 s11;
	v17 =	vld [tilespmem:s17+$0xFFFFFFB0];
	[tilespmem:v10+s23+$0x0] =	vst.idx.msk $0xffff, v5  }
0xba: {  	v10 =	vor.u32 s20, v3;
	s20 =	smov.u32 s9;
	v5 =	vld [tilespmem:s17+$0xFFFFFF30];
	[tilespmem:v12+s23+$0x0] =	vst.idx.msk $0xffff, v11;
	v11 =	vor.u32 s18, v3;
	s18 =	smov.u32 s25  }
0xbb: {  	[tilespmem:v13+s23+$0x0] =	vst.idx.msk $0xffff, v7;
	v7 =	vld [tilespmem:s17+$0xB0];
	s17 =	smov.u32 s1  }
0xbc: {  	v13 =	vor.u32 s19, v0;
	v12 =	vld [tilespmem:s1+$0x40];
	[tilespmem:v16+s23+$0x0] =	vst.idx.msk $0xffff, v6  }
0xbd: {  	s2 =	sor.u32 s7, s31;
	v6 =	vld [tilespmem:s1+$0xFFFFFFC0];
	[tilespmem:v14+s23+$0x0] =	vst.idx.msk $0xffff, v8  }
0xbe: {  	v14 =	vor.u32 s2, v0;
	v8 =	vld [tilespmem:s1+$0xC0];
	[tilespmem:v20+s23+$0x0] =	vst.idx.msk $0xffff, v17  }
0xbf: {  	v17 =	vor.u32 s18, v0;
	v16 =	vld [tilespmem:s1+$0x80];
	[tilespmem:v10+s23+$0x0] =	vst.idx.msk $0xffff, v5  }
0xc0: {  	v20 =	vld [tilespmem:s1+$0x0];
	[tilespmem:v11+s23+$0x0] =	vst.idx.msk $0xffff, v7  }
0xc1: {  	v5 =	vld [tilespmem:s1+$0xFFFFFF80];
	[tilespmem:v13+s23+$0x0] =	vst.idx.msk $0xffff, v12  }
0xc2: {  	v10 =	vor.u32 s28, v1;
	v7 =	vld [tilespmem:s1+$0xFFFFFF50];
	[tilespmem:v19+s23+$0x0] =	vst.idx.msk $0xffff, v6  }
0xc3: {  	v12 =	vor.u32 s24, v1;
	v6 =	vld [tilespmem:s1+$0xFFFFFFD0];
	[tilespmem:v14+s23+$0x0] =	vst.idx.msk $0xffff, v8  }
0xc4: {  	[tilespmem:v17+s23+$0x0] =	vst.idx.msk $0xffff, v16;
	v8 =	vld [tilespmem:s1+$0xD0];
	v16 =	vor.u32 s2, v1  }
0xc5: {  	[tilespmem:v9+s23+$0x0] =	vst.idx.msk $0xffff, v15;
	v9 =	vld [tilespmem:s1+$0x90]  }
0xc6: {  	[tilespmem:v18+s23+$0x0] =	vst.idx.msk $0xffff, v5;
	v17 =	vld [tilespmem:s1+$0x50];
	v18 =	vor.u32 s19, v1  }
.Ltmp1:
0xc7: {  	v15 =	vor.u32 s18, v1;
	v5 =	vld [tilespmem:s1+$0xFFFFFF10];
	[tilespmem:v10+s23+$0x0] =	vst.idx.msk $0xffff, v7;
	(pc) =	sbr.rel @p1 .LBB2_5-.Ltmp1, $4  }
0xc8: {  	v14 =	vor.u32 s28, v2;
	v11 =	vld [tilespmem:s1+$0xFFFFFF60];
	[tilespmem:v12+s23+$0x0] =	vst.idx.msk $0xffff, v6  }
0xc9: {  	v13 =	vor.u32 s24, v2;
	v10 =	vld [tilespmem:s1+$0xFFFFFFE0];
	[tilespmem:v16+s23+$0x0] =	vst.idx.msk $0xffff, v8  }
0xca: {  	v12 =	vor.u32 s20, v1;
	v6 =	vld [tilespmem:s1+$0xFFFFFF90];
	[tilespmem:v21+s23+$0x0] =	vst.idx.msk $0xffff, v20  }
0xcb: {  	s22 =	sadd.s32 $0x40, s22;
	v8 =	vor.u32 s14, v1;
	s1 =	sadd.s32 $0x200, s1;
	v7 =	vld [tilespmem:s17+$0x10];
	[tilespmem:v18+s23+$0x0] =	vst.idx.msk $0xffff, v17  }
0xcc: {  	_ =	sdelay $0x3  }
0xcd: {  	[tilespmem:v15+s23+$0x0] =	vst.idx.msk $0xffff, v9  }
0xce: {  	v41 =	vld [tilespmem:s17+$0xE0];
	v42 =	vor.u32 s2, v2;
	[tilespmem:v12+s23+$0x0] =	vst.idx.msk $0xffff, v5  }
0xcf: {  	v43 =	vld [tilespmem:s17+$0x60];
	v44 =	vor.u32 s19, v2;
	[tilespmem:v14+s23+$0x0] =	vst.idx.msk $0xffff, v11  }
0xd0: {  	v45 =	vor.u32 s18, v2;
	v5 =	vld [tilespmem:s17+$0xA0];
	[tilespmem:v13+s23+$0x0] =	vst.idx.msk $0xffff, v10  }
0xd1: {  	v47 =	vor.u32 s20, v2;
	v46 =	vld [tilespmem:s17+$0xFFFFFF20];
	[tilespmem:v4+s23+$0x0] =	vst.idx.msk $0xffff, v6  }
0xd2: {  	v49 =	vor.u32 s21, v2;
	[tilespmem:v8+s23+$0x0] =	vst.idx.msk $0xffff, v7;
	v50 =	vld [tilespmem:s17+$0xFFFFFFA0]  }
0xd3: {  	v48 =	vor.u32 s14, v2;
	v4 =	vld [tilespmem:s17+$0x20];
	[tilespmem:v42+s23+$0x0] =	vst.idx.msk $0xffff, v41  }
0xd4: {  	v51 =	vor.u32 s2, v3;
	[tilespmem:v44+s23+$0x0] =	vst.idx.msk $0xffff, v43;
	v52 =	vld [tilespmem:s17+$0xF0]  }
0xd5: {  	v53 =	vor.u32 s28, v3;
	[tilespmem:v45+s23+$0x0] =	vst.idx.msk $0xffff, v5;
	v5 =	vld [tilespmem:s17+$0xFFFFFF70]  }
0xd6: {  	v54 =	vor.u32 s19, v3;
	[tilespmem:v47+s23+$0x0] =	vst.idx.msk $0xffff, v46;
	v55 =	vld [tilespmem:s17+$0x70]  }
0xd7: {  	v61 =	vor.u32 s20, v3;
	v62 =	vld [tilespmem:s17+$0xFFFFFF30];
	[tilespmem:v49+s23+$0x0] =	vst.idx.msk $0xffff, v50  }
0xd8: {  	v56 =	vor.u32 s24, v3;
	[tilespmem:v48+s23+$0x0] =	vst.idx.msk $0xffff, v4;
	v4 =	vld [tilespmem:s17+$0xFFFFFFF0]  }
0xd9: {  	v59 =	vor.u32 s21, v3;
	v60 =	vld [tilespmem:s17+$0xFFFFFFB0];
	[tilespmem:v51+s23+$0x0] =	vst.idx.msk $0xffff, v52  }
0xda: {  	v57 =	vor.u32 s14, v3;
	v58 =	vld [tilespmem:s17+$0x30];
	[tilespmem:v53+s23+$0x0] =	vst.idx.msk $0xffff, v5  }
0xdb: {  	v63 =	vld [tilespmem:s17+$0xB0];
	v5 =	vor.u32 s18, v3;
	[tilespmem:v54+s23+$0x0] =	vst.idx.msk $0xffff, v55  }
0xdc: {  	[tilespmem:v61+s23+$0x0] =	vst.idx.msk $0xffff, v62  }
0xdd: {  	s0 =	sshll.u32 s16, $0xB;
	s1 =	sshll.u32 s16, $0x8;
	[tilespmem:v56+s23+$0x0] =	vst.idx.msk $0xffff, v4  }
0xde: {  	s0 =	sand.u32 $0xFFF8000, s0;
	s1 =	sand.u32 $0xF00, s1;
	[tilespmem:v59+s23+$0x0] =	vst.idx.msk $0xffff, v60  }
0xdf: {  	s10 =	rddreg [dreg:$0x1];
	s0 =	sor.u32 s1, s0;
	[tilespmem:v57+s23+$0x0] =	vst.idx.msk $0xffff, v58  }
0xe0: {  	s1 =	sadd.s32 s10, s0;
	[tilespmem:v5+s23+$0x0] =	vst.idx.msk $0xffff, v63  }
0xe1: {  	[hbm4b:s1+s3] =	stream.linear.scatter [tilespmem:s23], [sflag:$0x5], $0x800, $0x38;
	[tilespmem:$0x1E400] =	vst v63  }
0xe2: {  	s11 =	rddreg [dreg:$0x4]  }
0xe3: {  	s12 =	simm.s32 $0x16C00;
	s14 =	rddreg [dreg:$0x5];
	s1 =	sadd.s32 s0, s11  }
0xe4: {  	[hbm4b:s1+s3] =	stream.linear.scatter [tilespmem:s12], [sflag:$0x5], $0x800, $0x38;
	[tilespmem:$0x1E400] =	vst v63  }
0xe5: {  	s16 =	simm.s32 $0x17400;
	s17 =	rddreg [dreg:$0x6];
	s1 =	sadd.s32 s0, s14  }
0xe6: {  	[hbm4b:s1+s3] =	stream.linear.scatter [tilespmem:s16], [sflag:$0x5], $0x800, $0x38;
	[tilespmem:$0x1E400] =	vst v63  }
0xe7: {  	s18 =	simm.s32 $0x17C00;
	s19 =	rddreg [dreg:$0x7];
	s1 =	sadd.s32 s0, s17  }
0xe8: {  	[hbm4b:s1+s3] =	stream.linear.scatter [tilespmem:s18], [sflag:$0x5], $0x800, $0x38;
	[tilespmem:$0x1E400] =	vst v63  }
0xe9: {  	s20 =	simm.s32 $0x18400;
	s21 =	rddreg [dreg:$0x8];
	s1 =	sadd.s32 s0, s19  }
0xea: {  	[hbm4b:s1+s3] =	stream.linear.scatter [tilespmem:s20], [sflag:$0x5], $0x800, $0x38;
	[tilespmem:$0x1E400] =	vst v63  }
0xeb: {  	s22 =	simm.s32 $0x18C00;
	p1 =	sne.s32 s15, $0x20;
	s1 =	sadd.s32 s0, s21  }
0xec: {  	[hbm4b:s1+s3] =	stream.linear.scatter [tilespmem:s22], [sflag:$0x5], $0x800, $0x38;
	[tilespmem:$0x1E400] =	vst v63  }
.Ltmp2:
0xed: {  	s24 =	rddreg [dreg:$0x9];
	(pc) =	sbr.rel @p1 .LBB2_8-.Ltmp2, $4  }
0xee: {  	s25 =	simm.s32 $0x19400;
	s28 =	rddreg [dreg:$0xa];
	s1 =	sadd.s32 s0, s24  }
0xef: {  	[hbm4b:s1+s3] =	stream.linear.scatter [tilespmem:s25], [sflag:$0x5], $0x800, $0x38;
	[tilespmem:$0x1E400] =	vst v63  }
0xf0: {  	s31 =	simm.s32 $0x19C00;
	s0 =	sadd.s32 s0, s28  }
0xf1: {  	[hbm4b:s0+s3] =	stream.linear.scatter [tilespmem:s31], [sflag:$0x5], $0x800, $0x38;
	[tilespmem:$0x1E400] =	vst v63  }
.Ltmp3:
0xf2: {  	(pc) =	sbr.rel .LBB2_9-.Ltmp3, $4  }
0xf3: {  	s0 =	simm.s32 $0x3  }
0xf4: {  	_ =	swait.ge [sflag:s0], $0x4000  }
0xf5: {  	[sflag:s0] =	ssyncset.done $0x0  }
0xf6: {  	s31 =	smov.u32 s13;
	[sflag:s0] =	ssyncadd.s32 $0xFFFFC000  }
.LBB2_8:
0xf7: {  	s0 =	sadd.s32 $0x400, s29  }
0xf8: {  	s1 =	simm.s32 $0x80;
	s2 =	simm.s32 $0xA400;
	s25 =	sadd.s32 $0x480, s29  }
0xf9: {  	[tilespmem:s2], [sflag:$0x2] =	stream.indirect.gather [hbm4b:s4+s1], $0x40, s0, s1, $0xb8;
	[tilespmem:$0x1E400] =	vst v63  }
.Ltmp4:
0xfa: {  	s28 =	simm.s32 $0xC400;
	s29 =	simm.s32 $0x3;
	(pc) =	sbr.rel @p0 .LBB2_10-.Ltmp4, $4  }
0xfb: {  	[tilespmem:s28], [sflag:$0x2] =	stream.indirect.gather [hbm4b:s4+s1], $0x40, s25, s1, $0xb8;
	[tilespmem:$0x1E400] =	vst v63  }
0xfc: {  	_ =	swait.ge [sflag:s29], $0x4000  }
0xfd: {  	[sflag:s29] =	ssyncset.done $0x0  }
0xfe: {  	s31 =	smov.u32 s13;
	[sflag:s29] =	ssyncadd.s32 $0xFFFFC000  }
.LBB2_9:
0xff: {  	s0 =	simm.s32 $0x6  }
0x100: {  	_ =	swait.ge [sflag:s0], $0x4000  }
0x101: {  	[sflag:s0] =	ssyncset.done $0x0  }
0x102: {  	[sflag:s0] =	ssyncadd.s32 $0xFFFFC000  }
.LBB2_10:
0x103: {  	s0 =	simm.s32 $0x0;
	s16 =	simm.s32 $0xE500;
	s1 =	simm.s32 $0x1  }
0x104: {  	s20 =	simm.s32 $0x5;
	s1 =	sand.u32 $0x79, s1;
	s5 =	sand.u32 $0x400, s0  }
0x105: {  	s2 =	simm.s32 $0x3;
	v4 =	vld [tilespmem:s16+$0xFFFFFF00];
	s0 =	sand.u32 $0x7D, s20;
	s17 =	sor.u32 s1, s5  }
0x106: {  	s7 =	simm.s32 $0x6;
	s2 =	sand.u32 $0x7B, s2;
	v6 =	vld [tilespmem:s16+$0xFFFFFF40];
	s19 =	sor.u32 s0, s5;
	v5 =	vor.u32 s17, v0  }
0x107: {  	s21 =	simm.s32 $0x7;
	v7 =	vld [tilespmem:s16+$0x40];
	s7 =	sand.u32 $0x7E, s7;
	s24 =	sor.u32 s2, s5;
	v8 =	vor.u32 s19, v0  }
0x108: {  	v10 =	vld [tilespmem:s16+$0xFFFFFFC0];
	s1 =	sand.u32 $0x7F, s21;
	s0 =	simm.s32 $0x0;
	s18 =	sor.u32 s7, s5;
	v9 =	vor.u32 s24, v0  }
0x109: {  	s29 =	simm.s32 $0x4;
	v13 =	vld [tilespmem:s16+$0x80];
	s2 =	sor.u32 s1, s5;
	s22 =	sand.u32 $0x78, s0;
	v14 =	vor.u32 s18, v0  }
0x10a: {  	s8 =	simm.s32 $0x2;
	v11 =	vld [tilespmem:s16+$0xC0];
	s1 =	sand.u32 $0x7C, s29;
	v12 =	vor.u32 s2, v0;
	s20 =	sor.u32 s22, s5  }
0x10b: {  	s25 =	sand.u32 $0x7A, s8;
	v16 =	vld [tilespmem:s16+$0x0];
	s14 =	sor.u32 s1, s5;
	v15 =	vor.u32 s20, v0;
	[tilespmem:v5+s26+$0x0] =	vst.idx.msk $0xffff, v6  }
0x10c: {  	s21 =	sor.u32 s25, s5;
	v18 =	vor.u32 s14, v0;
	v6 =	vld [tilespmem:s16+$0xFFFFFF80];
	[tilespmem:v8+s26+$0x0] =	vst.idx.msk $0xffff, v7  }
0x10d: {  	v5 =	vor.u32 s21, v0;
	[tilespmem:v9+s26+$0x0] =	vst.idx.msk $0xffff, v10;
	v7 =	vld [tilespmem:s16+$0xFFFFFF50]  }
0x10e: {  	v8 =	vor.u32 s17, v1;
	[tilespmem:v14+s26+$0x0] =	vst.idx.msk $0xffff, v13;
	v10 =	vld [tilespmem:s16+$0xFFFFFFD0]  }
0x10f: {  	v17 =	vor.u32 s24, v1;
	[tilespmem:v12+s26+$0x0] =	vst.idx.msk $0xffff, v11;
	v9 =	vld [tilespmem:s16+$0x90]  }
0x110: {  	v13 =	vor.u32 s2, v1;
	v12 =	vld [tilespmem:s16+$0xD0];
	[tilespmem:v15+s26+$0x0] =	vst.idx.msk $0xffff, v4  }
0x111: {  	v20 =	vor.u32 s19, v1;
	v19 =	vld [tilespmem:s16+$0x50];
	[tilespmem:v18+s26+$0x0] =	vst.idx.msk $0xffff, v16  }
0x112: {  	[tilespmem:v5+s26+$0x0] =	vst.idx.msk $0xffff, v6;
	v5 =	vld [tilespmem:s16+$0xFFFFFF10]  }
0x113: {  	v15 =	vor.u32 s18, v1;
	[tilespmem:v8+s26+$0x0] =	vst.idx.msk $0xffff, v7;
	v6 =	vld [tilespmem:s16+$0xFFFFFF90]  }
0x114: {  	v14 =	vor.u32 s17, v2;
	[tilespmem:v17+s26+$0x0] =	vst.idx.msk $0xffff, v10;
	v11 =	vld [tilespmem:s16+$0xFFFFFF60]  }
0x115: {  	v4 =	vor.u32 s21, v1;
	v10 =	vld [tilespmem:s16+$0xFFFFFFE0];
	[tilespmem:v13+s26+$0x0] =	vst.idx.msk $0xffff, v12;
	v13 =	vor.u32 s24, v2  }
0x116: {  	s28 =	sadd.s32 s31, s30;
	s22 =	simm.s32 $0x40;
	s1 =	simm.s32 $0xE700;
	v7 =	vld [tilespmem:s16+$0x10];
	v8 =	vor.u32 s14, v1;
	[tilespmem:v20+s26+$0x0] =	vst.idx.msk $0xffff, v19;
	v12 =	vor.u32 s20, v1  }
.LBB2_11:
0x117: {  	s5 =	sadd.s32 $0x9, s0  }
0x118: {  	s7 =	sadd.s32 $0xF, s0;
	[tilespmem:v15+s26+$0x0] =	vst.idx.msk $0xffff, v9;
	v9 =	vld [tilespmem:s16+$0xE0];
	s8 =	smov.u32 s0;
	s0 =	sadd.s32 $0x8, s0  }
0x119: {  	s9 =	sand.u32 $0x78, s0;
	s5 =	sand.u32 $0x79, s5;
	s10 =	sadd.s32 $0xC, s8;
	[tilespmem:v14+s26+$0x0] =	vst.idx.msk $0xffff, v11;
	v11 =	vld [tilespmem:s16+$0x60];
	v14 =	vor.u32 s2, v2  }
0x11a: {  	s29 =	sand.u32 $0x400, s22;
	s11 =	sadd.s32 $0xA, s8;
	v15 =	vld [tilespmem:s1+$0xFFFFFF00];
	s10 =	sand.u32 $0x7C, s10;
	[tilespmem:v13+s26+$0x0] =	vst.idx.msk $0xffff, v10;
	v10 =	vor.u32 s19, v2  }
0x11b: {  	s12 =	sadd.s32 $0xB, s8;
	s11 =	sand.u32 $0x7A, s11;
	s10 =	sor.u32 s10, s29;
	[tilespmem:v12+s26+$0x0] =	vst.idx.msk $0xffff, v5;
	v5 =	vld [tilespmem:s16+$0xA0];
	v12 =	vor.u32 s18, v2  }
0x11c: {  	v16 =	vor.u32 s20, v2;
	s25 =	sadd.s32 $0xE, s8;
	s5 =	sor.u32 s5, s29;
	s12 =	sand.u32 $0x7B, s12;
	v13 =	vld [tilespmem:s16+$0xFFFFFF20];
	[tilespmem:v8+s26+$0x0] =	vst.idx.msk $0xffff, v7;
	v7 =	vor.u32 s14, v2  }
0x11d: {  	s8 =	sadd.s32 $0xD, s8;
	s11 =	sor.u32 s11, s29;
	s12 =	sor.u32 s12, s29;
	v8 =	vor.u32 s5, v0;
	[tilespmem:v4+s26+$0x0] =	vst.idx.msk $0xffff, v6;
	v6 =	vor.u32 s21, v2;
	v17 =	vld [tilespmem:s16+$0x20]  }
0x11e: {  	s7 =	sand.u32 $0x7F, s7;
	s9 =	sor.u32 s9, s29;
	s25 =	sand.u32 $0x7E, s25;
	v18 =	vor.u32 s11, v0;
	v19 =	vor.u32 s12, v0;
	v4 =	vor.u32 s11, v1;
	v20 =	vld [tilespmem:s16+$0xFFFFFFA0];
	[tilespmem:v14+s26+$0x0] =	vst.idx.msk $0xffff, v9  }
0x11f: {  	p0 =	slt.u32 s0, $0xF8;
	s8 =	sand.u32 $0x7D, s8;
	s25 =	sor.u32 s25, s29;
	v21 =	vor.u32 s10, v0;
	v9 =	vor.u32 s9, v0;
	v14 =	vld [tilespmem:s1+$0xFFFFFF40];
	[tilespmem:v10+s26+$0x0] =	vst.idx.msk $0xffff, v11  }
0x120: {  	s8 =	sor.u32 s8, s29;
	v10 =	vor.u32 s2, v3;
	[tilespmem:v12+s26+$0x0] =	vst.idx.msk $0xffff, v5;
	v5 =	vld [tilespmem:s16+$0xF0]  }
0x121: {  	v12 =	vor.u32 s17, v3;
	s17 =	smov.u32 s5;
	[tilespmem:v16+s26+$0x0] =	vst.idx.msk $0xffff, v13;
	v11 =	vld [tilespmem:s16+$0xFFFFFF70]  }
0x122: {  	v13 =	vor.u32 s19, v3;
	s19 =	smov.u32 s8;
	[tilespmem:v7+s26+$0x0] =	vst.idx.msk $0xffff, v17;
	v7 =	vld [tilespmem:s16+$0x70]  }
0x123: {  	v16 =	vor.u32 s24, v3;
	s24 =	smov.u32 s12;
	[tilespmem:v6+s26+$0x0] =	vst.idx.msk $0xffff, v20;
	v6 =	vld [tilespmem:s16+$0xFFFFFFF0]  }
0x124: {  	[tilespmem:v8+s26+$0x0] =	vst.idx.msk $0xffff, v14;
	v8 =	vld [tilespmem:s16+$0x30];
	v14 =	vor.u32 s14, v3;
	s14 =	smov.u32 s10  }
0x125: {  	v20 =	vor.u32 s21, v3;
	s21 =	smov.u32 s11;
	v17 =	vld [tilespmem:s16+$0xFFFFFFB0];
	[tilespmem:v10+s26+$0x0] =	vst.idx.msk $0xffff, v5  }
0x126: {  	v10 =	vor.u32 s20, v3;
	s20 =	smov.u32 s9;
	v5 =	vld [tilespmem:s16+$0xFFFFFF30];
	[tilespmem:v12+s26+$0x0] =	vst.idx.msk $0xffff, v11;
	v11 =	vor.u32 s18, v3;
	s18 =	smov.u32 s25  }
0x127: {  	[tilespmem:v13+s26+$0x0] =	vst.idx.msk $0xffff, v7;
	v7 =	vld [tilespmem:s16+$0xB0];
	s16 =	smov.u32 s1  }
0x128: {  	v13 =	vor.u32 s19, v0;
	v12 =	vld [tilespmem:s1+$0x40];
	[tilespmem:v16+s26+$0x0] =	vst.idx.msk $0xffff, v6  }
0x129: {  	s2 =	sor.u32 s7, s29;
	v6 =	vld [tilespmem:s1+$0xFFFFFFC0];
	[tilespmem:v14+s26+$0x0] =	vst.idx.msk $0xffff, v8  }
0x12a: {  	v14 =	vor.u32 s2, v0;
	v8 =	vld [tilespmem:s1+$0xC0];
	[tilespmem:v20+s26+$0x0] =	vst.idx.msk $0xffff, v17  }
0x12b: {  	v17 =	vor.u32 s18, v0;
	v16 =	vld [tilespmem:s1+$0x80];
	[tilespmem:v10+s26+$0x0] =	vst.idx.msk $0xffff, v5  }
0x12c: {  	v20 =	vld [tilespmem:s1+$0x0];
	[tilespmem:v11+s26+$0x0] =	vst.idx.msk $0xffff, v7  }
0x12d: {  	v5 =	vld [tilespmem:s1+$0xFFFFFF80];
	[tilespmem:v13+s26+$0x0] =	vst.idx.msk $0xffff, v12  }
0x12e: {  	v10 =	vor.u32 s17, v1;
	v7 =	vld [tilespmem:s1+$0xFFFFFF50];
	[tilespmem:v19+s26+$0x0] =	vst.idx.msk $0xffff, v6  }
0x12f: {  	v12 =	vor.u32 s24, v1;
	v6 =	vld [tilespmem:s1+$0xFFFFFFD0];
	[tilespmem:v14+s26+$0x0] =	vst.idx.msk $0xffff, v8  }
0x130: {  	[tilespmem:v17+s26+$0x0] =	vst.idx.msk $0xffff, v16;
	v8 =	vld [tilespmem:s1+$0xD0];
	v16 =	vor.u32 s2, v1  }
0x131: {  	[tilespmem:v9+s26+$0x0] =	vst.idx.msk $0xffff, v15;
	v9 =	vld [tilespmem:s1+$0x90]  }
0x132: {  	[tilespmem:v18+s26+$0x0] =	vst.idx.msk $0xffff, v5;
	v17 =	vld [tilespmem:s1+$0x50];
	v18 =	vor.u32 s19, v1  }
.Ltmp5:
0x133: {  	v15 =	vor.u32 s18, v1;
	v5 =	vld [tilespmem:s1+$0xFFFFFF10];
	[tilespmem:v10+s26+$0x0] =	vst.idx.msk $0xffff, v7;
	(pc) =	sbr.rel @p0 .LBB2_11-.Ltmp5, $4  }
0x134: {  	v14 =	vor.u32 s17, v2;
	v11 =	vld [tilespmem:s1+$0xFFFFFF60];
	[tilespmem:v12+s26+$0x0] =	vst.idx.msk $0xffff, v6  }
0x135: {  	v13 =	vor.u32 s24, v2;
	v10 =	vld [tilespmem:s1+$0xFFFFFFE0];
	[tilespmem:v16+s26+$0x0] =	vst.idx.msk $0xffff, v8  }
0x136: {  	v12 =	vor.u32 s20, v1;
	v6 =	vld [tilespmem:s1+$0xFFFFFF90];
	[tilespmem:v21+s26+$0x0] =	vst.idx.msk $0xffff, v20  }
0x137: {  	s22 =	sadd.s32 $0x40, s22;
	v8 =	vor.u32 s14, v1;
	s1 =	sadd.s32 $0x200, s1;
	v7 =	vld [tilespmem:s16+$0x10];
	[tilespmem:v18+s26+$0x0] =	vst.idx.msk $0xffff, v17  }
0x138: {  	_ =	sdelay $0x3  }
0x139: {  	[tilespmem:v15+s26+$0x0] =	vst.idx.msk $0xffff, v9  }
0x13a: {  	v41 =	vld [tilespmem:s16+$0xE0];
	v42 =	vor.u32 s2, v2;
	[tilespmem:v12+s26+$0x0] =	vst.idx.msk $0xffff, v5  }
0x13b: {  	v43 =	vld [tilespmem:s16+$0x60];
	v44 =	vor.u32 s19, v2;
	[tilespmem:v14+s26+$0x0] =	vst.idx.msk $0xffff, v11  }
0x13c: {  	v45 =	vor.u32 s18, v2;
	v5 =	vld [tilespmem:s16+$0xA0];
	[tilespmem:v13+s26+$0x0] =	vst.idx.msk $0xffff, v10  }
0x13d: {  	v47 =	vor.u32 s20, v2;
	v46 =	vld [tilespmem:s16+$0xFFFFFF20];
	[tilespmem:v4+s26+$0x0] =	vst.idx.msk $0xffff, v6  }
0x13e: {  	v49 =	vor.u32 s21, v2;
	[tilespmem:v8+s26+$0x0] =	vst.idx.msk $0xffff, v7;
	v50 =	vld [tilespmem:s16+$0xFFFFFFA0]  }
0x13f: {  	v48 =	vor.u32 s14, v2;
	v4 =	vld [tilespmem:s16+$0x20];
	[tilespmem:v42+s26+$0x0] =	vst.idx.msk $0xffff, v41  }
0x140: {  	v51 =	vor.u32 s2, v3;
	[tilespmem:v44+s26+$0x0] =	vst.idx.msk $0xffff, v43;
	v52 =	vld [tilespmem:s16+$0xF0]  }
0x141: {  	v53 =	vor.u32 s17, v3;
	[tilespmem:v45+s26+$0x0] =	vst.idx.msk $0xffff, v5;
	v5 =	vld [tilespmem:s16+$0xFFFFFF70]  }
0x142: {  	v54 =	vor.u32 s19, v3;
	[tilespmem:v47+s26+$0x0] =	vst.idx.msk $0xffff, v46;
	v55 =	vld [tilespmem:s16+$0x70]  }
0x143: {  	v61 =	vor.u32 s20, v3;
	v62 =	vld [tilespmem:s16+$0xFFFFFF30];
	[tilespmem:v49+s26+$0x0] =	vst.idx.msk $0xffff, v50  }
0x144: {  	v56 =	vor.u32 s24, v3;
	[tilespmem:v48+s26+$0x0] =	vst.idx.msk $0xffff, v4;
	v4 =	vld [tilespmem:s16+$0xFFFFFFF0]  }
0x145: {  	v59 =	vor.u32 s21, v3;
	v60 =	vld [tilespmem:s16+$0xFFFFFFB0];
	[tilespmem:v51+s26+$0x0] =	vst.idx.msk $0xffff, v52  }
0x146: {  	v57 =	vor.u32 s14, v3;
	v58 =	vld [tilespmem:s16+$0x30];
	[tilespmem:v53+s26+$0x0] =	vst.idx.msk $0xffff, v5  }
0x147: {  	v63 =	vld [tilespmem:s16+$0xB0];
	v5 =	vor.u32 s18, v3;
	[tilespmem:v54+s26+$0x0] =	vst.idx.msk $0xffff, v55  }
0x148: {  	[tilespmem:v61+s26+$0x0] =	vst.idx.msk $0xffff, v62  }
0x149: {  	s0 =	sshll.u32 s28, $0xB;
	s1 =	sshll.u32 s28, $0x8;
	[tilespmem:v56+s26+$0x0] =	vst.idx.msk $0xffff, v4  }
0x14a: {  	s0 =	sand.u32 $0xFFF8000, s0;
	s1 =	sand.u32 $0xF00, s1;
	[tilespmem:v59+s26+$0x0] =	vst.idx.msk $0xffff, v60  }
0x14b: {  	s12 =	rddreg [dreg:$0x1];
	s0 =	sor.u32 s1, s0;
	[tilespmem:v57+s26+$0x0] =	vst.idx.msk $0xffff, v58  }
0x14c: {  	s1 =	sadd.s32 s12, s0;
	[tilespmem:v5+s26+$0x0] =	vst.idx.msk $0xffff, v63  }
0x14d: {  	[hbm4b:s1+s3] =	stream.linear.scatter [tilespmem:s26], [sflag:$0x6], $0x800, $0x38;
	[tilespmem:$0x1E400] =	vst v63  }
0x14e: {  	s14 =	simm.s32 $0x1AC00;
	s13 =	rddreg [dreg:$0x4]  }
0x14f: {  	s17 =	simm.s32 $0x1B400;
	s16 =	rddreg [dreg:$0x5];
	s1 =	sadd.s32 s0, s13  }
0x150: {  	[hbm4b:s1+s3] =	stream.linear.scatter [tilespmem:s14], [sflag:$0x6], $0x800, $0x38;
	[tilespmem:$0x1E400] =	vst v63  }
0x151: {  	s19 =	simm.s32 $0x1BC00;
	s18 =	rddreg [dreg:$0x6];
	s1 =	sadd.s32 s0, s16  }
0x152: {  	[hbm4b:s1+s3] =	stream.linear.scatter [tilespmem:s17], [sflag:$0x6], $0x800, $0x38;
	[tilespmem:$0x1E400] =	vst v63  }
0x153: {  	s21 =	simm.s32 $0x1C400;
	s20 =	rddreg [dreg:$0x7];
	s1 =	sadd.s32 s0, s18  }
0x154: {  	[hbm4b:s1+s3] =	stream.linear.scatter [tilespmem:s19], [sflag:$0x6], $0x800, $0x38;
	[tilespmem:$0x1E400] =	vst v63  }
0x155: {  	s15 =	sadd.s32 $0x1, s15;
	s22 =	rddreg [dreg:$0x8];
	s1 =	sadd.s32 s0, s20  }
0x156: {  	[hbm4b:s1+s3] =	stream.linear.scatter [tilespmem:s21], [sflag:$0x6], $0x800, $0x38;
	[tilespmem:$0x1E400] =	vst v63  }
0x157: {  	s24 =	simm.s32 $0x1CC00;
	p0 =	sne.s32 s15, $0x21;
	s1 =	sadd.s32 s0, s22  }
0x158: {  	[hbm4b:s1+s3] =	stream.linear.scatter [tilespmem:s24], [sflag:$0x6], $0x800, $0x38;
	[tilespmem:$0x1E400] =	vst v63  }
.Ltmp6:
0x159: {  	s25 =	rddreg [dreg:$0x9];
	(pc) =	sbr.rel @p0 .LBB2_2-.Ltmp6, $4  }
0x15a: {  	s28 =	simm.s32 $0x1D400;
	s29 =	rddreg [dreg:$0xa];
	s1 =	sadd.s32 s0, s25  }
0x15b: {  	[hbm4b:s1+s3] =	stream.linear.scatter [tilespmem:s28], [sflag:$0x6], $0x800, $0x38;
	[tilespmem:$0x1E400] =	vst v63  }
0x15c: {  	s30 =	simm.s32 $0x1DC00;
	s0 =	sadd.s32 s0, s29  }
0x15d: {  	[hbm4b:s0+s3] =	stream.linear.scatter [tilespmem:s30], [sflag:$0x6], $0x800, $0x38;
	[tilespmem:$0x1E400] =	vst v63  }
0x15e: {  	s0 =	simm.s32 $0x1  }
0x15f: {  	_ =	swait.ge [sflag:s0], $0x4000  }
0x160: {  	[sflag:s0] =	ssyncset.done $0x0  }
0x161: {  	s13 =	simm.s32 $0x4;
	[sflag:s0] =	ssyncadd.s32 $0xFFFFC000  }
0x162: {  	s22 =	simm.s32 $0x0;
	s15 =	simm.s32 $0x6500;
	_ =	swait.ge [sflag:s13], $0x4000  }
0x163: {  	s1 =	simm.s32 $0x1;
	s24 =	simm.s32 $0x5;
	[sflag:s13] =	ssyncset.done $0x0  }
0x164: {  	s1 =	sand.u32 $0x79, s1;
	s5 =	sand.u32 $0x400, s22;
	[sflag:s13] =	ssyncadd.s32 $0xFFFFC000  }
0x165: {  	s2 =	simm.s32 $0x3;
	s16 =	sor.u32 s1, s5;
	s0 =	sand.u32 $0x7D, s24;
	v4 =	vld [tilespmem:s15+$0xFFFFFF00]  }
0x166: {  	s25 =	simm.s32 $0x7;
	s2 =	sand.u32 $0x7B, s2;
	v5 =	vor.u32 s16, v0;
	s19 =	sor.u32 s0, s5;
	v6 =	vld [tilespmem:s15+$0xFFFFFF40]  }
0x167: {  	s7 =	simm.s32 $0x6;
	s18 =	sor.u32 s2, s5;
	s1 =	sand.u32 $0x7F, s25;
	v8 =	vor.u32 s19, v0;
	v7 =	vld [tilespmem:s15+$0x40]  }
0x168: {  	s7 =	sand.u32 $0x7E, s7;
	v9 =	vor.u32 s18, v0;
	s2 =	sor.u32 s1, s5;
	s0 =	simm.s32 $0x0;
	v10 =	vld [tilespmem:s15+$0xFFFFFFC0]  }
0x169: {  	s30 =	simm.s32 $0x4;
	s17 =	sor.u32 s7, s5;
	v12 =	vor.u32 s2, v0;
	s28 =	sand.u32 $0x78, s0;
	v11 =	vld [tilespmem:s15+$0xC0]  }
0x16a: {  	s8 =	simm.s32 $0x2;
	v14 =	vor.u32 s17, v0;
	s1 =	sand.u32 $0x7C, s30;
	s20 =	sor.u32 s28, s5;
	v13 =	vld [tilespmem:s15+$0x80]  }
0x16b: {  	s29 =	sand.u32 $0x7A, s8;
	s14 =	sor.u32 s1, s5;
	v15 =	vor.u32 s20, v0;
	v16 =	vld [tilespmem:s15+$0x0];
	[tilespmem:v5+s6+$0x0] =	vst.idx.msk $0xffff, v6  }
0x16c: {  	s21 =	sor.u32 s29, s5;
	v18 =	vor.u32 s14, v0;
	v6 =	vld [tilespmem:s15+$0xFFFFFF80];
	[tilespmem:v8+s6+$0x0] =	vst.idx.msk $0xffff, v7  }
0x16d: {  	v5 =	vor.u32 s21, v0;
	[tilespmem:v9+s6+$0x0] =	vst.idx.msk $0xffff, v10;
	v7 =	vld [tilespmem:s15+$0xFFFFFF50]  }
0x16e: {  	v8 =	vor.u32 s16, v1;
	[tilespmem:v12+s6+$0x0] =	vst.idx.msk $0xffff, v11;
	v10 =	vld [tilespmem:s15+$0xFFFFFFD0]  }
0x16f: {  	v17 =	vor.u32 s18, v1;
	[tilespmem:v14+s6+$0x0] =	vst.idx.msk $0xffff, v13;
	v11 =	vld [tilespmem:s15+$0xD0]  }
0x170: {  	v13 =	vor.u32 s2, v1;
	[tilespmem:v15+s6+$0x0] =	vst.idx.msk $0xffff, v4;
	v9 =	vld [tilespmem:s15+$0x90]  }
0x171: {  	v20 =	vor.u32 s19, v1;
	[tilespmem:v18+s6+$0x0] =	vst.idx.msk $0xffff, v16;
	v19 =	vld [tilespmem:s15+$0x50]  }
0x172: {  	[tilespmem:v5+s6+$0x0] =	vst.idx.msk $0xffff, v6;
	v5 =	vld [tilespmem:s15+$0xFFFFFF10]  }
0x173: {  	v15 =	vor.u32 s17, v1;
	[tilespmem:v8+s6+$0x0] =	vst.idx.msk $0xffff, v7;
	v6 =	vld [tilespmem:s15+$0xFFFFFF90]  }
0x174: {  	v14 =	vor.u32 s16, v2;
	[tilespmem:v17+s6+$0x0] =	vst.idx.msk $0xffff, v10;
	v12 =	vld [tilespmem:s15+$0xFFFFFF60]  }
0x175: {  	v4 =	vor.u32 s21, v1;
	[tilespmem:v13+s6+$0x0] =	vst.idx.msk $0xffff, v11;
	v13 =	vor.u32 s18, v2;
	v10 =	vld [tilespmem:s15+$0xFFFFFFE0]  }
0x176: {  	s22 =	simm.s32 $0x40;
	s1 =	simm.s32 $0x6700;
	v11 =	vor.u32 s20, v1;
	v7 =	vld [tilespmem:s15+$0x10];
	v8 =	vor.u32 s14, v1;
	[tilespmem:v20+s6+$0x0] =	vst.idx.msk $0xffff, v19  }
.LBB2_14:
0x177: {  	s5 =	sadd.s32 $0x9, s0  }
0x178: {  	s7 =	sadd.s32 $0xF, s0;
	[tilespmem:v15+s6+$0x0] =	vst.idx.msk $0xffff, v9;
	v9 =	vld [tilespmem:s15+$0xE0];
	s8 =	smov.u32 s0;
	s0 =	sadd.s32 $0x8, s0  }
0x179: {  	s9 =	sand.u32 $0x78, s0;
	s5 =	sand.u32 $0x79, s5;
	s10 =	sadd.s32 $0xC, s8;
	[tilespmem:v14+s6+$0x0] =	vst.idx.msk $0xffff, v12;
	v12 =	vld [tilespmem:s15+$0x60];
	v14 =	vor.u32 s2, v2  }
0x17a: {  	s24 =	sand.u32 $0x400, s22;
	s11 =	sadd.s32 $0xA, s8;
	v15 =	vld [tilespmem:s1+$0xFFFFFF00];
	s10 =	sand.u32 $0x7C, s10;
	[tilespmem:v13+s6+$0x0] =	vst.idx.msk $0xffff, v10;
	v10 =	vor.u32 s19, v2  }
0x17b: {  	s12 =	sadd.s32 $0xB, s8;
	s11 =	sand.u32 $0x7A, s11;
	s10 =	sor.u32 s10, s24;
	[tilespmem:v11+s6+$0x0] =	vst.idx.msk $0xffff, v5;
	v5 =	vld [tilespmem:s15+$0xA0];
	v11 =	vor.u32 s17, v2  }
0x17c: {  	v16 =	vor.u32 s20, v2;
	s25 =	sadd.s32 $0xE, s8;
	s5 =	sor.u32 s5, s24;
	s12 =	sand.u32 $0x7B, s12;
	v13 =	vld [tilespmem:s15+$0xFFFFFF20];
	[tilespmem:v8+s6+$0x0] =	vst.idx.msk $0xffff, v7;
	v7 =	vor.u32 s14, v2  }
0x17d: {  	s8 =	sadd.s32 $0xD, s8;
	s11 =	sor.u32 s11, s24;
	s12 =	sor.u32 s12, s24;
	v8 =	vor.u32 s5, v0;
	[tilespmem:v4+s6+$0x0] =	vst.idx.msk $0xffff, v6;
	v6 =	vor.u32 s21, v2;
	v17 =	vld [tilespmem:s15+$0x20]  }
0x17e: {  	s7 =	sand.u32 $0x7F, s7;
	s9 =	sor.u32 s9, s24;
	s25 =	sand.u32 $0x7E, s25;
	v18 =	vor.u32 s11, v0;
	v19 =	vor.u32 s12, v0;
	v4 =	vor.u32 s11, v1;
	v20 =	vld [tilespmem:s15+$0xFFFFFFA0];
	[tilespmem:v14+s6+$0x0] =	vst.idx.msk $0xffff, v9  }
0x17f: {  	p0 =	slt.u32 s0, $0xF8;
	s8 =	sand.u32 $0x7D, s8;
	s25 =	sor.u32 s25, s24;
	v21 =	vor.u32 s10, v0;
	v9 =	vor.u32 s9, v0;
	v14 =	vld [tilespmem:s1+$0xFFFFFF40];
	[tilespmem:v10+s6+$0x0] =	vst.idx.msk $0xffff, v12  }
0x180: {  	s8 =	sor.u32 s8, s24;
	v10 =	vor.u32 s2, v3;
	[tilespmem:v11+s6+$0x0] =	vst.idx.msk $0xffff, v5;
	v5 =	vld [tilespmem:s15+$0xF0]  }
0x181: {  	v12 =	vor.u32 s16, v3;
	s16 =	smov.u32 s5;
	[tilespmem:v16+s6+$0x0] =	vst.idx.msk $0xffff, v13;
	v11 =	vld [tilespmem:s15+$0xFFFFFF70]  }
0x182: {  	v13 =	vor.u32 s19, v3;
	s19 =	smov.u32 s8;
	[tilespmem:v7+s6+$0x0] =	vst.idx.msk $0xffff, v17;
	v7 =	vld [tilespmem:s15+$0x70]  }
0x183: {  	v16 =	vor.u32 s18, v3;
	s18 =	smov.u32 s12;
	[tilespmem:v6+s6+$0x0] =	vst.idx.msk $0xffff, v20;
	v6 =	vld [tilespmem:s15+$0xFFFFFFF0]  }
0x184: {  	[tilespmem:v8+s6+$0x0] =	vst.idx.msk $0xffff, v14;
	v8 =	vld [tilespmem:s15+$0x30];
	v14 =	vor.u32 s14, v3;
	s14 =	smov.u32 s10  }
0x185: {  	v20 =	vor.u32 s21, v3;
	s21 =	smov.u32 s11;
	v17 =	vld [tilespmem:s15+$0xFFFFFFB0];
	[tilespmem:v10+s6+$0x0] =	vst.idx.msk $0xffff, v5  }
0x186: {  	v10 =	vor.u32 s20, v3;
	s20 =	smov.u32 s9;
	v5 =	vld [tilespmem:s15+$0xFFFFFF30];
	[tilespmem:v12+s6+$0x0] =	vst.idx.msk $0xffff, v11;
	v11 =	vor.u32 s17, v3;
	s17 =	smov.u32 s25  }
0x187: {  	[tilespmem:v13+s6+$0x0] =	vst.idx.msk $0xffff, v7;
	v7 =	vld [tilespmem:s15+$0xB0];
	s15 =	smov.u32 s1  }
0x188: {  	v13 =	vor.u32 s19, v0;
	v12 =	vld [tilespmem:s1+$0x40];
	[tilespmem:v16+s6+$0x0] =	vst.idx.msk $0xffff, v6  }
0x189: {  	s2 =	sor.u32 s7, s24;
	v6 =	vld [tilespmem:s1+$0xFFFFFFC0];
	[tilespmem:v14+s6+$0x0] =	vst.idx.msk $0xffff, v8  }
0x18a: {  	v14 =	vor.u32 s2, v0;
	v8 =	vld [tilespmem:s1+$0xC0];
	[tilespmem:v20+s6+$0x0] =	vst.idx.msk $0xffff, v17  }
0x18b: {  	v17 =	vor.u32 s17, v0;
	v16 =	vld [tilespmem:s1+$0x80];
	[tilespmem:v10+s6+$0x0] =	vst.idx.msk $0xffff, v5  }
0x18c: {  	v20 =	vld [tilespmem:s1+$0x0];
	[tilespmem:v11+s6+$0x0] =	vst.idx.msk $0xffff, v7  }
0x18d: {  	v5 =	vld [tilespmem:s1+$0xFFFFFF80];
	[tilespmem:v13+s6+$0x0] =	vst.idx.msk $0xffff, v12  }
0x18e: {  	v10 =	vor.u32 s16, v1;
	v7 =	vld [tilespmem:s1+$0xFFFFFF50];
	[tilespmem:v19+s6+$0x0] =	vst.idx.msk $0xffff, v6  }
0x18f: {  	v11 =	vor.u32 s18, v1;
	v6 =	vld [tilespmem:s1+$0xFFFFFFD0];
	[tilespmem:v14+s6+$0x0] =	vst.idx.msk $0xffff, v8  }
0x190: {  	[tilespmem:v17+s6+$0x0] =	vst.idx.msk $0xffff, v16;
	v8 =	vld [tilespmem:s1+$0xD0];
	v16 =	vor.u32 s2, v1  }
0x191: {  	[tilespmem:v9+s6+$0x0] =	vst.idx.msk $0xffff, v15;
	v9 =	vld [tilespmem:s1+$0x90]  }
0x192: {  	[tilespmem:v18+s6+$0x0] =	vst.idx.msk $0xffff, v5;
	v17 =	vld [tilespmem:s1+$0x50];
	v18 =	vor.u32 s19, v1  }
.Ltmp7:
0x193: {  	v15 =	vor.u32 s17, v1;
	v5 =	vld [tilespmem:s1+$0xFFFFFF10];
	[tilespmem:v10+s6+$0x0] =	vst.idx.msk $0xffff, v7;
	(pc) =	sbr.rel @p0 .LBB2_14-.Ltmp7, $4  }
0x194: {  	v14 =	vor.u32 s16, v2;
	v12 =	vld [tilespmem:s1+$0xFFFFFF60];
	[tilespmem:v11+s6+$0x0] =	vst.idx.msk $0xffff, v6  }
0x195: {  	v13 =	vor.u32 s18, v2;
	v10 =	vld [tilespmem:s1+$0xFFFFFFE0];
	[tilespmem:v16+s6+$0x0] =	vst.idx.msk $0xffff, v8  }
0x196: {  	v11 =	vor.u32 s20, v1;
	v6 =	vld [tilespmem:s1+$0xFFFFFF90];
	[tilespmem:v21+s6+$0x0] =	vst.idx.msk $0xffff, v20  }
0x197: {  	s22 =	sadd.s32 $0x40, s22;
	v8 =	vor.u32 s14, v1;
	s1 =	sadd.s32 $0x200, s1;
	v7 =	vld [tilespmem:s15+$0x10];
	[tilespmem:v18+s6+$0x0] =	vst.idx.msk $0xffff, v17  }
0x198: {  	_ =	sdelay $0x3  }
0x199: {  	[tilespmem:v15+s6+$0x0] =	vst.idx.msk $0xffff, v9  }
0x19a: {  	v41 =	vld [tilespmem:s15+$0xE0];
	v42 =	vor.u32 s2, v2;
	[tilespmem:v11+s6+$0x0] =	vst.idx.msk $0xffff, v5  }
0x19b: {  	v43 =	vld [tilespmem:s15+$0x60];
	v44 =	vor.u32 s19, v2;
	[tilespmem:v14+s6+$0x0] =	vst.idx.msk $0xffff, v12  }
0x19c: {  	v45 =	vor.u32 s17, v2;
	v5 =	vld [tilespmem:s15+$0xA0];
	[tilespmem:v13+s6+$0x0] =	vst.idx.msk $0xffff, v10  }
0x19d: {  	v47 =	vor.u32 s20, v2;
	v46 =	vld [tilespmem:s15+$0xFFFFFF20];
	[tilespmem:v4+s6+$0x0] =	vst.idx.msk $0xffff, v6  }
0x19e: {  	v49 =	vor.u32 s21, v2;
	[tilespmem:v8+s6+$0x0] =	vst.idx.msk $0xffff, v7;
	v50 =	vld [tilespmem:s15+$0xFFFFFFA0]  }
0x19f: {  	v48 =	vor.u32 s14, v2;
	v4 =	vld [tilespmem:s15+$0x20];
	[tilespmem:v42+s6+$0x0] =	vst.idx.msk $0xffff, v41  }
0x1a0: {  	v51 =	vor.u32 s2, v3;
	[tilespmem:v44+s6+$0x0] =	vst.idx.msk $0xffff, v43;
	v52 =	vld [tilespmem:s15+$0xF0]  }
0x1a1: {  	v53 =	vor.u32 s16, v3;
	[tilespmem:v45+s6+$0x0] =	vst.idx.msk $0xffff, v5;
	v5 =	vld [tilespmem:s15+$0xFFFFFF70]  }
0x1a2: {  	v54 =	vor.u32 s19, v3;
	[tilespmem:v47+s6+$0x0] =	vst.idx.msk $0xffff, v46;
	v55 =	vld [tilespmem:s15+$0x70]  }
0x1a3: {  	v61 =	vor.u32 s20, v3;
	v62 =	vld [tilespmem:s15+$0xFFFFFF30];
	[tilespmem:v49+s6+$0x0] =	vst.idx.msk $0xffff, v50  }
0x1a4: {  	v56 =	vor.u32 s18, v3;
	[tilespmem:v48+s6+$0x0] =	vst.idx.msk $0xffff, v4;
	v4 =	vld [tilespmem:s15+$0xFFFFFFF0]  }
0x1a5: {  	v59 =	vor.u32 s21, v3;
	v60 =	vld [tilespmem:s15+$0xFFFFFFB0];
	[tilespmem:v51+s6+$0x0] =	vst.idx.msk $0xffff, v52  }
0x1a6: {  	v57 =	vor.u32 s14, v3;
	v58 =	vld [tilespmem:s15+$0x30];
	[tilespmem:v53+s6+$0x0] =	vst.idx.msk $0xffff, v5  }
0x1a7: {  	v63 =	vld [tilespmem:s15+$0xB0];
	v5 =	vor.u32 s17, v3;
	[tilespmem:v54+s6+$0x0] =	vst.idx.msk $0xffff, v55  }
0x1a8: {  	[tilespmem:v61+s6+$0x0] =	vst.idx.msk $0xffff, v62  }
0x1a9: {  	[tilespmem:v56+s6+$0x0] =	vst.idx.msk $0xffff, v4  }
0x1aa: {  	[tilespmem:v59+s6+$0x0] =	vst.idx.msk $0xffff, v60  }
0x1ab: {  	[tilespmem:v57+s6+$0x0] =	vst.idx.msk $0xffff, v58  }
0x1ac: {  	[tilespmem:v5+s6+$0x0] =	vst.idx.msk $0xffff, v63  }
0x1ad: {  	s0 =	rddreg [dreg:$0xc]  }
0x1ae: {  	[hbm4b:s0+s3] =	stream.linear.scatter [tilespmem:s6], [sflag:$0x4], $0x800, $0x38;
	[tilespmem:$0x1E400] =	vst v63  }
0x1af: {  	s1 =	simm.s32 $0x12C00;
	s10 =	rddreg [dreg:$0xd]  }
0x1b0: {  	[hbm4b:s10+s3] =	stream.linear.scatter [tilespmem:s1], [sflag:$0x4], $0x800, $0x38;
	[tilespmem:$0x1E400] =	vst v63  }
0x1b1: {  	s12 =	simm.s32 $0x13400;
	s11 =	rddreg [dreg:$0xe]  }
0x1b2: {  	[hbm4b:s11+s3] =	stream.linear.scatter [tilespmem:s12], [sflag:$0x4], $0x800, $0x38;
	[tilespmem:$0x1E400] =	vst v63  }
0x1b3: {  	s15 =	simm.s32 $0x13C00;
	s14 =	rddreg [dreg:$0xf]  }
0x1b4: {  	[hbm4b:s14+s3] =	stream.linear.scatter [tilespmem:s15], [sflag:$0x4], $0x800, $0x38;
	[tilespmem:$0x1E400] =	vst v63  }
0x1b5: {  	s17 =	simm.s32 $0x14400;
	s16 =	rddreg [dreg:$0x10]  }
0x1b6: {  	[hbm4b:s16+s3] =	stream.linear.scatter [tilespmem:s17], [sflag:$0x4], $0x800, $0x38;
	[tilespmem:$0x1E400] =	vst v63  }
0x1b7: {  	s19 =	simm.s32 $0x14C00;
	s18 =	rddreg [dreg:$0x11]  }
0x1b8: {  	[hbm4b:s18+s3] =	stream.linear.scatter [tilespmem:s19], [sflag:$0x4], $0x800, $0x38;
	[tilespmem:$0x1E400] =	vst v63  }
0x1b9: {  	s21 =	simm.s32 $0x15400;
	s20 =	rddreg [dreg:$0x12]  }
0x1ba: {  	[hbm4b:s20+s3] =	stream.linear.scatter [tilespmem:s21], [sflag:$0x4], $0x800, $0x38;
	[tilespmem:$0x1E400] =	vst v63  }
0x1bb: {  	s24 =	simm.s32 $0x15C00;
	s22 =	rddreg [dreg:$0x13]  }
0x1bc: {  	[hbm4b:s22+s3] =	stream.linear.scatter [tilespmem:s24], [sflag:$0x4], $0x800, $0x38;
	[tilespmem:$0x1E400] =	vst v63  }
0x1bd: {  	_ =	swait.ge [sflag:s13], $0x4000  }
0x1be: {  	[sflag:s13] =	ssyncset.done $0x0  }
0x1bf: {  	s25 =	simm.s32 $0x5;
	[sflag:s13] =	ssyncadd.s32 $0xFFFFC000  }
0x1c0: {  	_ =	swait.ge [sflag:s25], $0x4000  }
0x1c1: {  	[sflag:s25] =	ssyncset.done $0x0  }
0x1c2: {  	s28 =	simm.s32 $0x6;
	[sflag:s25] =	ssyncadd.s32 $0xFFFFC000  }
0x1c3: {  	_ =	swait.ge [sflag:s28], $0x4000  }
0x1c4: {  	s29 =	rddreg [dreg:$0x15]  }
0x1c5: {  	s30 =	rddreg [dreg:$0x14];
	s2 =	sadd.s32 $0x1, s29  }
0x1c6: {  	p0 =	sne.s32 s2, s30  }
.Ltmp8:
0x1c7: {  	_ = 	snop;
	(pc) =	sbr.rel @p0 .LBB2_1-.Ltmp8, $3  }
0x1c8: {  	_ =	sdelay $0x1  }
0x1c9: {  	[sflag:s28] =	ssyncset.done $0x0  }
0x1ca: {  	[sflag:s28] =	ssyncadd.s32 $0xFFFFC000  }
0x1cb: {  	_ =	sfence.sel $0x180000  }
0x1cc: {  	[bflag:$0x0] =	sbarrier.arrive $0xFFFF  }
0x1cd: {  	_ =	strace $0x90000047  }
0x1ce: {  	s0 =	stileid.u32;
	[bflag:$0x2] =	sbarrier.arrive $0xFFFF  }
0x1cf: {  	p0 =	sne.s32 s0, $0x0;
	s0 =	rddreg [dreg:$0x2]  }
0x1d0: {  	s0 =	sadd.s32 @!p0 $0x100000, s0  }
0x1d1: {  	[sflag:s0] =	ssyncadd.tile.s32 @!p0 $0x1;
	_ =	shalt  }
.Lfunc_end2:
_tile_overlayer_lowered:
.L_overlay_start_2:
0x1d2: {  	(tag) =	ssettag $0x2  }
0x1d3: {  	s0 =	rddreg [dreg:$0x0];
	s2 =	stileid.u32  }
0x1d4: {  	s1 =	rddreg [dreg:$0x1];
	p0 =	sne.s32 s2, $0x0  }
0x1d5: {  	s3 =	rddreg [dreg:$0x2];
	[bflag:$0x3] =	sbarrier.arrive $0xFFFF;
	s2 =	simm.s32 @!p0 $0x1C07  }
0x1d6: {  	[timem:s3], [sflag:s2] =	dma.local @!p0 [hbm:s0], s1  }
0x1d7: {  	s0 =	simm.s32 @!p0 $0x7  }
0x1d8: {  	_ =	swait.ge @!p0 [sflag:s0], s1  }
0x1d9: {  	s1 =	ssub.s32 @!p0 $0x0, s1;
	[sflag:s0] =	ssyncset.done @!p0 $0x0  }
0x1da: {  	[sflag:s0] =	ssyncadd.s32 @!p0 s1  }
0x1db: {  	[bflag:$0x3] =	sbarrier.arrive $0xFFFF  }
0x1dc: {  	_ =	shalt  }

</sc_bundles>
